<compile_context>
chip_gen: v7x
topology: tpu7x:2x2x1
jax: 0.10.2.dev20260603
libtpu: 0.0.44.dev20260713+nightly
codegen_flags: <defaults>
</compile_context>

<pallas_src>
import functools

import jax
import jax.numpy as jnp
from jax import lax
from jax.experimental import pallas as pl
from jax.experimental.pallas import tpu as pltpu
from jax.experimental.pallas import tpu_sc as plsc

_B, _K, _N, _D = 4096, 8, 1024, 256
_BB = 512


def _argmin_tc_body(*refs):
    if len(refs) == 6:
        x_ref, e_ref, _dep_ref, idx_ref, gidx_ref, e2_ref = refs
    else:
        x_ref, e_ref, idx_ref, gidx_ref, e2_ref = refs
    @pl.when(pl.program_id(0) == 0)
    def _():
        e2_ref[...] = 0.5 * jnp.sum(e_ref[...] * e_ref[...], axis=-1)

    lane_k = lax.broadcasted_iota(jnp.int32, (_BB, _K), 1)
    acc = jnp.zeros((_BB, _K), jnp.int32)
    for k in range(_K):
        xk = x_ref[:, k, :]
        ek = e_ref[k]
        cross = lax.dot_general(xk, ek, (((1,), (1,)), ((), ())),
                                preferred_element_type=jnp.float32)
        score = e2_ref[k:k + 1, :] - cross
        idxk = jnp.argmin(score, axis=1, keepdims=True).astype(jnp.int32)
        acc = jnp.where(lane_k == k, idxk, acc)
    idx_ref[...] = acc
    gidx_ref[...] = acc + lane_k * _N


def _argmin_call(x, entries, step0, nsteps, dep=None):
    bc = nsteps * _BB
    in_specs = [
        pl.BlockSpec((_BB, _K, _D), lambda i: (step0 + i, 0, 0)),
        pl.BlockSpec((_K, _N, _D), lambda i: (0, 0, 0)),
    ]
    args = [x, entries]
    if dep is not None:
        in_specs.append(pl.BlockSpec((8, _K), lambda i: (0, 0)))
        args.append(dep)
    return pl.pallas_call(
        _argmin_tc_body,
        grid=(nsteps,),
        in_specs=in_specs,
        out_specs=[
            pl.BlockSpec((_BB, _K), lambda i: (i, 0)),
            pl.BlockSpec((_BB, _K), lambda i: (i, 0)),
        ],
        out_shape=[
            jax.ShapeDtypeStruct((bc, _K), jnp.int32),
            jax.ShapeDtypeStruct((bc, _K), jnp.int32),
        ],
        scratch_shapes=[pltpu.VMEM((_K, _N), jnp.float32)],
    )(*args)


_ROWS = _B * _K
_CH = 64
_NB = 6
_PF = 3


def _gather_sc_body(nc, rpw, table_hbm, gidx_hbm, out_hbm, idx_v, *scr):
    bufs = scr[:_NB]
    gs = scr[_NB:2 * _NB]
    ss = scr[2 * _NB:3 * _NB]
    wid = lax.axis_index("s") * nc + lax.axis_index("c")
    base = wid * rpw
    pltpu.sync_copy(gidx_hbm.at[pl.ds(base, rpw)], idx_v)
    nch = rpw // _CH

    def gather(c):
        return pltpu.async_copy(
            table_hbm.at[idx_v.at[pl.ds(c * _CH, _CH)]],
            bufs[c % _NB], gs[c % _NB])

    g = [None] * nch
    s = [None] * nch
    for c in range(min(_PF, nch)):
        g[c] = gather(c)
    for c in range(nch):
        f = c + _PF
        if f < nch:
            w = f - _NB
            if w >= 0:
                s[w].wait()
            g[f] = gather(f)
        g[c].wait()
        s[c] = pltpu.async_copy(
            bufs[c % _NB], out_hbm.at[pl.ds(base + c * _CH, _CH)], ss[c % _NB])
    for c in range(max(0, nch - _NB), nch):
        s[c].wait()


def _gather_call(table, gidx_flat, out_rows=None):
    info = plsc.get_sparse_core_info()
    nw = info.num_cores * info.num_subcores
    nrows = gidx_flat.shape[0]
    rpw = nrows // nw
    fn = pl.kernel(
        functools.partial(_gather_sc_body, info.num_cores, rpw),
        out_type=jax.ShapeDtypeStruct((out_rows or nrows, _D), jnp.float32),
        mesh=plsc.VectorSubcoreMesh(core_axis_name="c", subcore_axis_name="s"),
        scratch_types=(
            [pltpu.VMEM((rpw,), jnp.int32)]
            + [pltpu.VMEM((_CH, _D), jnp.float32) for _ in range(_NB)]
            + [pltpu.SemaphoreType.DMA for _ in range(2 * _NB)]
        ),
    )
    return fn(table, gidx_flat)


_CHUNK_STEPS = (8,)


def kernel(x, entries):
    table = entries.reshape(_K * _N, _D)
    idxs, qs = [], []
    step0 = 0
    for j, nsteps in enumerate(_CHUNK_STEPS):
        bc = nsteps * _BB
        dep = idxs[j - 1] if j > 0 else None
        idx_j, gidx_j = _argmin_call(x, entries, step0, nsteps, dep=dep)
        qs.append(_gather_call(table, gidx_j.reshape(bc * _K),
                               out_rows=_ROWS if j == 0 else None))
        idxs.append(idx_j)
        step0 += nsteps
    q = qs[0]
    off = _CHUNK_STEPS[0] * _BB * _K
    for j in range(1, len(_CHUNK_STEPS)):
        q = lax.dynamic_update_slice(q, qs[j], (off, 0))
        off += _CHUNK_STEPS[j] * _BB * _K
    idx = idxs[0] if len(idxs) == 1 else jnp.concatenate(idxs, axis=0)
    return q.reshape(_B, _K, _D), idx

# --- scband reference (transcript-rebuilt; emitter-appended) ---
"""Pipeline reference for scband-codebook-71090298684064 (READ-ONLY COPY).

The authoritative reference and input builder live on the scoring server;
editing this copy changes nothing except your own understanding.
"""

import jax, jax.numpy as jnp
import numpy as np

B, K, N, D = 4096, 8, 1024, 256

def setup_inputs(seed: int = 0):
    key = jax.random.key(seed)
    k1, k2 = jax.random.split(key)
    x = jax.random.normal(k1, (B, K, D), dtype=jnp.float32)
    entries = jax.random.normal(k2, (K, N, D), dtype=jnp.float32)
    return {"x": x, "entries": entries}

def reference(x, entries):
    # proj_in is Identity since dim == proj_dim_h and proj_num_layers is None;
    # proj_out is None since dim_entries == dim.
    xk = jnp.transpose(x, (1, 0, 2))  # (K, B, D)
    # torch.cdist (euclidean) via expanded squared-distance + sqrt
    x2 = jnp.sum(xk * xk, axis=-1, keepdims=True)            # (K, B, 1)
    e2 = jnp.sum(entries * entries, axis=-1)[:, None, :]     # (K, 1, N)
    cross = jnp.einsum('kbd,knd->kbn', xk, entries)          # (K, B, N)
    dist = jnp.sqrt(jnp.maximum(x2 + e2 - 2.0 * cross, 0.0))
    idx = jnp.argmin(dist, axis=-1)                          # (K, B)
    quantized = jnp.take_along_axis(entries, idx[:, :, None], axis=1)  # (K, B, D)
    quantized = jnp.transpose(quantized, (1, 0, 2))          # (B, K, D)
    # straight-through estimator: x_q = x + sg(quantized - x)
    x_q = x + jax.lax.stop_gradient(quantized - x)
    return x_q, jnp.transpose(idx, (1, 0))

if __name__ == "__main__":
    import jax
    _d = setup_inputs()
    print(jax.jit(kernel)(*tuple(_d.values())))

</pallas_src>

<mosaic_0001>
#map = affine_map<(d0, d1) -> (0, 0)>
#map1 = affine_map<(d0, d1) -> (0)>
module attributes {stable_mosaic.version = 14 : i64} {
  func.func @_gather_sc_body(%arg0: i32, %arg1: i32, %arg2: memref<8192x256xf32, #tpu.memory_space<hbm>>, %arg3: memref<32768xi32, #tpu.memory_space<hbm>>, %arg4: memref<32768x256xf32, #tpu.memory_space<hbm>>, %arg5: memref<1024xi32, #tpu.memory_space<vmem>>, %arg6: memref<64x256xf32, #tpu.memory_space<vmem>>, %arg7: memref<64x256xf32, #tpu.memory_space<vmem>>, %arg8: memref<64x256xf32, #tpu.memory_space<vmem>>, %arg9: memref<64x256xf32, #tpu.memory_space<vmem>>, %arg10: memref<64x256xf32, #tpu.memory_space<vmem>>, %arg11: memref<64x256xf32, #tpu.memory_space<vmem>>, %arg12: memref<!tpu.dma_semaphore, #tpu.memory_space<semaphore_mem>>, %arg13: memref<!tpu.dma_semaphore, #tpu.memory_space<semaphore_mem>>, %arg14: memref<!tpu.dma_semaphore, #tpu.memory_space<semaphore_mem>>, %arg15: memref<!tpu.dma_semaphore, #tpu.memory_space<semaphore_mem>>, %arg16: memref<!tpu.dma_semaphore, #tpu.memory_space<semaphore_mem>>, %arg17: memref<!tpu.dma_semaphore, #tpu.memory_space<semaphore_mem>>, %arg18: memref<!tpu.dma_semaphore, #tpu.memory_space<semaphore_mem>>, %arg19: memref<!tpu.dma_semaphore, #tpu.memory_space<semaphore_mem>>, %arg20: memref<!tpu.dma_semaphore, #tpu.memory_space<semaphore_mem>>, %arg21: memref<!tpu.dma_semaphore, #tpu.memory_space<semaphore_mem>>, %arg22: memref<!tpu.dma_semaphore, #tpu.memory_space<semaphore_mem>>, %arg23: memref<!tpu.dma_semaphore, #tpu.memory_space<semaphore_mem>>) attributes {dimension_semantics = [#tpu.dimension_semantics<core_parallel>, #tpu.dimension_semantics<subcore_parallel>], iteration_bounds = array<i64: 2, 16>, scalar_prefetch = 0 : i64, scratch_operands = 19 : i64, tpu.core_type = #tpu.core_type<sc_vector_subcore>, window_params = [{transform_indices = #map}, {transform_indices = #map1}, {transform_indices = #map}]} {
    %mul3A = arith.constant 2 : i32
    %mul3A_0 = arith.muli %arg1, %mul3A : i32
    %add3A = arith.addi %mul3A_0, %arg0 : i32
    %mul3A_1 = arith.constant 1024 : i32
    %mul3A_2 = arith.muli %add3A, %mul3A_1 : i32
    "tpu.region"() ({
      %run_scoped3A = tpu.sem_alloc : memref<!tpu.dma_semaphore, #tpu.memory_space<semaphore_mem>>
      %dma_start3A_321 = tpu.memref_slice %arg3[%mul3A_2] : memref<32768xi32, #tpu.memory_space<hbm>> -> memref<1024xi32, #tpu.memory_space<hbm>>
      %dma_start3A_322 = tpu.memref_slice %arg3[%mul3A_2] : memref<32768xi32, #tpu.memory_space<hbm>> -> memref<1024xi32, #tpu.memory_space<hbm>>
      tpu.enqueue_dma source(%dma_start3A_322 : memref<1024xi32, #tpu.memory_space<hbm>>) target(%arg5 : memref<1024xi32, #tpu.memory_space<vmem>>) target_semaphore(%run_scoped3A : memref<!tpu.dma_semaphore, #tpu.memory_space<semaphore_mem>>)
      %dma_wait3A_323 = tpu.memref_slice %arg3[%mul3A_2] : memref<32768xi32, #tpu.memory_space<hbm>> -> memref<1024xi32, #tpu.memory_space<hbm>>
      %dma_wait3A_324 = tpu.memref_slice %arg3[%mul3A_2] : memref<32768xi32, #tpu.memory_space<hbm>> -> memref<1024xi32, #tpu.memory_space<hbm>>
      tpu.wait_dma2 semaphore(%run_scoped3A : memref<!tpu.dma_semaphore, #tpu.memory_space<semaphore_mem>>) src(%dma_wait3A_324 : memref<1024xi32, #tpu.memory_space<hbm>>) dst(%arg5 : memref<1024xi32, #tpu.memory_space<vmem>>)
      tpu.yield
    }) : () -> ()
    %dma_start3A = arith.constant 0 : i32
    %dma_start3A_3 = tpu.memref_slice %arg5[%dma_start3A] : memref<1024xi32, #tpu.memory_space<vmem>> -> memref<64xi32, #tpu.memory_space<vmem>>
    %dma_start3A_4 = arith.constant 0 : i32
    %dma_start3A_5 = arith.constant 0 : i32
    %dma_start3A_6 = tpu.memref_slice %arg2[%dma_start3A_4, %dma_start3A_5] : memref<8192x256xf32, #tpu.memory_space<hbm>> -> memref<8192x256xf32, #tpu.memory_space<hbm>>
    tpu.enqueue_indirect_dma source(%dma_start3A_6 : memref<8192x256xf32, #tpu.memory_space<hbm>>) target(%arg6 : memref<64x256xf32, #tpu.memory_space<vmem>>) offsets(%dma_start3A_3 : memref<64xi32, #tpu.memory_space<vmem>>) semaphore(%arg12 : memref<!tpu.dma_semaphore, #tpu.memory_space<semaphore_mem>>)
    %dma_start3A_7 = arith.constant 64 : i32
    %dma_start3A_8 = tpu.memref_slice %arg5[%dma_start3A_7] : memref<1024xi32, #tpu.memory_space<vmem>> -> memref<64xi32, #tpu.memory_space<vmem>>
    %dma_start3A_9 = arith.constant 0 : i32
    %dma_start3A_10 = arith.constant 0 : i32
    %dma_start3A_11 = tpu.memref_slice %arg2[%dma_start3A_9, %dma_start3A_10] : memref<8192x256xf32, #tpu.memory_space<hbm>> -> memref<8192x256xf32, #tpu.memory_space<hbm>>
    tpu.enqueue_indirect_dma source(%dma_start3A_11 : memref<8192x256xf32, #tpu.memory_space<hbm>>) target(%arg7 : memref<64x256xf32, #tpu.memory_space<vmem>>) offsets(%dma_start3A_8 : memref<64xi32, #tpu.memory_space<vmem>>) semaphore(%arg13 : memref<!tpu.dma_semaphore, #tpu.memory_space<semaphore_mem>>)
    %dma_start3A_12 = arith.constant 128 : i32
    %dma_start3A_13 = tpu.memref_slice %arg5[%dma_start3A_12] : memref<1024xi32, #tpu.memory_space<vmem>> -> memref<64xi32, #tpu.memory_space<vmem>>
    %dma_start3A_14 = arith.constant 0 : i32
    %dma_start3A_15 = arith.constant 0 : i32
    %dma_start3A_16 = tpu.memref_slice %arg2[%dma_start3A_14, %dma_start3A_15] : memref<8192x256xf32, #tpu.memory_space<hbm>> -> memref<8192x256xf32, #tpu.memory_space<hbm>>
    tpu.enqueue_indirect_dma source(%dma_start3A_16 : memref<8192x256xf32, #tpu.memory_space<hbm>>) target(%arg8 : memref<64x256xf32, #tpu.memory_space<vmem>>) offsets(%dma_start3A_13 : memref<64xi32, #tpu.memory_space<vmem>>) semaphore(%arg14 : memref<!tpu.dma_semaphore, #tpu.memory_space<semaphore_mem>>)
    %dma_start3A_17 = arith.constant 192 : i32
    %dma_start3A_18 = tpu.memref_slice %arg5[%dma_start3A_17] : memref<1024xi32, #tpu.memory_space<vmem>> -> memref<64xi32, #tpu.memory_space<vmem>>
    %dma_start3A_19 = arith.constant 0 : i32
    %dma_start3A_20 = arith.constant 0 : i32
    %dma_start3A_21 = tpu.memref_slice %arg2[%dma_start3A_19, %dma_start3A_20] : memref<8192x256xf32, #tpu.memory_space<hbm>> -> memref<8192x256xf32, #tpu.memory_space<hbm>>
    tpu.enqueue_indirect_dma source(%dma_start3A_21 : memref<8192x256xf32, #tpu.memory_space<hbm>>) target(%arg9 : memref<64x256xf32, #tpu.memory_space<vmem>>) offsets(%dma_start3A_18 : memref<64xi32, #tpu.memory_space<vmem>>) semaphore(%arg15 : memref<!tpu.dma_semaphore, #tpu.memory_space<semaphore_mem>>)
    %dma_wait3A = arith.constant 0 : i32
    %dma_wait3A_22 = tpu.memref_slice %arg5[%dma_wait3A] : memref<1024xi32, #tpu.memory_space<vmem>> -> memref<64xi32, #tpu.memory_space<vmem>>
    %dma_wait3A_23 = arith.constant 0 : i32
    %dma_wait3A_24 = arith.constant 0 : i32
    %dma_wait3A_25 = tpu.memref_slice %arg2[%dma_wait3A_23, %dma_wait3A_24] : memref<8192x256xf32, #tpu.memory_space<hbm>> -> memref<8192x256xf32, #tpu.memory_space<hbm>>
    tpu.wait_indirect_dma semaphore(%arg12 : memref<!tpu.dma_semaphore, #tpu.memory_space<semaphore_mem>>) src(%dma_wait3A_25 : memref<8192x256xf32, #tpu.memory_space<hbm>>) dst(%arg6 : memref<64x256xf32, #tpu.memory_space<vmem>>)
    %add3A_26 = arith.constant 0 : i32
    %add3A_27 = arith.addi %mul3A_2, %add3A_26 : i32
    %dma_start3A_28 = arith.constant 0 : i32
    %dma_start3A_29 = tpu.memref_slice %arg4[%add3A_27, %dma_start3A_28] : memref<32768x256xf32, #tpu.memory_space<hbm>> -> memref<64x256xf32, #tpu.memory_space<hbm>>
    %dma_start3A_30 = arith.constant 0 : i32
    %dma_start3A_31 = tpu.memref_slice %arg4[%add3A_27, %dma_start3A_30] : memref<32768x256xf32, #tpu.memory_space<hbm>> -> memref<64x256xf32, #tpu.memory_space<hbm>>
    tpu.enqueue_dma source(%arg6 : memref<64x256xf32, #tpu.memory_space<vmem>>) target(%dma_start3A_31 : memref<64x256xf32, #tpu.memory_space<hbm>>) target_semaphore(%arg18 : memref<!tpu.dma_semaphore, #tpu.memory_space<semaphore_mem>>)
    %dma_start3A_32 = arith.constant 256 : i32
    %dma_start3A_33 = tpu.memref_slice %arg5[%dma_start3A_32] : memref<1024xi32, #tpu.memory_space<vmem>> -> memref<64xi32, #tpu.memory_space<vmem>>
    %dma_start3A_34 = arith.constant 0 : i32
    %dma_start3A_35 = arith.constant 0 : i32
    %dma_start3A_36 = tpu.memref_slice %arg2[%dma_start3A_34, %dma_start3A_35] : memref<8192x256xf32, #tpu.memory_space<hbm>> -> memref<8192x256xf32, #tpu.memory_space<hbm>>
    tpu.enqueue_indirect_dma source(%dma_start3A_36 : memref<8192x256xf32, #tpu.memory_space<hbm>>) target(%arg10 : memref<64x256xf32, #tpu.memory_space<vmem>>) offsets(%dma_start3A_33 : memref<64xi32, #tpu.memory_space<vmem>>) semaphore(%arg16 : memref<!tpu.dma_semaphore, #tpu.memory_space<semaphore_mem>>)
    %dma_wait3A_37 = arith.constant 64 : i32
    %dma_wait3A_38 = tpu.memref_slice %arg5[%dma_wait3A_37] : memref<1024xi32, #tpu.memory_space<vmem>> -> memref<64xi32, #tpu.memory_space<vmem>>
    %dma_wait3A_39 = arith.constant 0 : i32
    %dma_wait3A_40 = arith.constant 0 : i32
    %dma_wait3A_41 = tpu.memref_slice %arg2[%dma_wait3A_39, %dma_wait3A_40] : memref<8192x256xf32, #tpu.memory_space<hbm>> -> memref<8192x256xf32, #tpu.memory_space<hbm>>
    tpu.wait_indirect_dma semaphore(%arg13 : memref<!tpu.dma_semaphore, #tpu.memory_space<semaphore_mem>>) src(%dma_wait3A_41 : memref<8192x256xf32, #tpu.memory_space<hbm>>) dst(%arg7 : memref<64x256xf32, #tpu.memory_space<vmem>>)
    %add3A_42 = arith.constant 64 : i32
    %add3A_43 = arith.addi %mul3A_2, %add3A_42 : i32
    %dma_start3A_44 = arith.constant 0 : i32
    %dma_start3A_45 = tpu.memref_slice %arg4[%add3A_43, %dma_start3A_44] : memref<32768x256xf32, #tpu.memory_space<hbm>> -> memref<64x256xf32, #tpu.memory_space<hbm>>
    %dma_start3A_46 = arith.constant 0 : i32
    %dma_start3A_47 = tpu.memref_slice %arg4[%add3A_43, %dma_start3A_46] : memref<32768x256xf32, #tpu.memory_space<hbm>> -> memref<64x256xf32, #tpu.memory_space<hbm>>
    tpu.enqueue_dma source(%arg7 : memref<64x256xf32, #tpu.memory_space<vmem>>) target(%dma_start3A_47 : memref<64x256xf32, #tpu.memory_space<hbm>>) target_semaphore(%arg19 : memref<!tpu.dma_semaphore, #tpu.memory_space<semaphore_mem>>)
    %dma_start3A_48 = arith.constant 320 : i32
    %dma_start3A_49 = tpu.memref_slice %arg5[%dma_start3A_48] : memref<1024xi32, #tpu.memory_space<vmem>> -> memref<64xi32, #tpu.memory_space<vmem>>
    %dma_start3A_50 = arith.constant 0 : i32
    %dma_start3A_51 = arith.constant 0 : i32
    %dma_start3A_52 = tpu.memref_slice %arg2[%dma_start3A_50, %dma_start3A_51] : memref<8192x256xf32, #tpu.memory_space<hbm>> -> memref<8192x256xf32, #tpu.memory_space<hbm>>
    tpu.enqueue_indirect_dma source(%dma_start3A_52 : memref<8192x256xf32, #tpu.memory_space<hbm>>) target(%arg11 : memref<64x256xf32, #tpu.memory_space<vmem>>) offsets(%dma_start3A_49 : memref<64xi32, #tpu.memory_space<vmem>>) semaphore(%arg17 : memref<!tpu.dma_semaphore, #tpu.memory_space<semaphore_mem>>)
    %dma_wait3A_53 = arith.constant 128 : i32
    %dma_wait3A_54 = tpu.memref_slice %arg5[%dma_wait3A_53] : memref<1024xi32, #tpu.memory_space<vmem>> -> memref<64xi32, #tpu.memory_space<vmem>>
    %dma_wait3A_55 = arith.constant 0 : i32
    %dma_wait3A_56 = arith.constant 0 : i32
    %dma_wait3A_57 = tpu.memref_slice %arg2[%dma_wait3A_55, %dma_wait3A_56] : memref<8192x256xf32, #tpu.memory_space<hbm>> -> memref<8192x256xf32, #tpu.memory_space<hbm>>
    tpu.wait_indirect_dma semaphore(%arg14 : memref<!tpu.dma_semaphore, #tpu.memory_space<semaphore_mem>>) src(%dma_wait3A_57 : memref<8192x256xf32, #tpu.memory_space<hbm>>) dst(%arg8 : memref<64x256xf32, #tpu.memory_space<vmem>>)
    %add3A_58 = arith.constant 128 : i32
    %add3A_59 = arith.addi %mul3A_2, %add3A_58 : i32
    %dma_start3A_60 = arith.constant 0 : i32
    %dma_start3A_61 = tpu.memref_slice %arg4[%add3A_59, %dma_start3A_60] : memref<32768x256xf32, #tpu.memory_space<hbm>> -> memref<64x256xf32, #tpu.memory_space<hbm>>
    %dma_start3A_62 = arith.constant 0 : i32
    %dma_start3A_63 = tpu.memref_slice %arg4[%add3A_59, %dma_start3A_62] : memref<32768x256xf32, #tpu.memory_space<hbm>> -> memref<64x256xf32, #tpu.memory_space<hbm>>
    tpu.enqueue_dma source(%arg8 : memref<64x256xf32, #tpu.memory_space<vmem>>) target(%dma_start3A_63 : memref<64x256xf32, #tpu.memory_space<hbm>>) target_semaphore(%arg20 : memref<!tpu.dma_semaphore, #tpu.memory_space<semaphore_mem>>)
    %dma_wait3A_64 = arith.constant 0 : i32
    %dma_wait3A_65 = tpu.memref_slice %arg4[%add3A_27, %dma_wait3A_64] : memref<32768x256xf32, #tpu.memory_space<hbm>> -> memref<64x256xf32, #tpu.memory_space<hbm>>
    %dma_wait3A_66 = arith.constant 0 : i32
    %dma_wait3A_67 = tpu.memref_slice %arg4[%add3A_27, %dma_wait3A_66] : memref<32768x256xf32, #tpu.memory_space<hbm>> -> memref<64x256xf32, #tpu.memory_space<hbm>>
    tpu.wait_dma2 semaphore(%arg18 : memref<!tpu.dma_semaphore, #tpu.memory_space<semaphore_mem>>) src(%arg6 : memref<64x256xf32, #tpu.memory_space<vmem>>) dst(%dma_wait3A_67 : memref<64x256xf32, #tpu.memory_space<hbm>>)
    %dma_start3A_68 = arith.constant 384 : i32
    %dma_start3A_69 = tpu.memref_slice %arg5[%dma_start3A_68] : memref<1024xi32, #tpu.memory_space<vmem>> -> memref<64xi32, #tpu.memory_space<vmem>>
    %dma_start3A_70 = arith.constant 0 : i32
    %dma_start3A_71 = arith.constant 0 : i32
    %dma_start3A_72 = tpu.memref_slice %arg2[%dma_start3A_70, %dma_start3A_71] : memref<8192x256xf32, #tpu.memory_space<hbm>> -> memref<8192x256xf32, #tpu.memory_space<hbm>>
    tpu.enqueue_indirect_dma source(%dma_start3A_72 : memref<8192x256xf32, #tpu.memory_space<hbm>>) target(%arg6 : memref<64x256xf32, #tpu.memory_space<vmem>>) offsets(%dma_start3A_69 : memref<64xi32, #tpu.memory_space<vmem>>) semaphore(%arg12 : memref<!tpu.dma_semaphore, #tpu.memory_space<semaphore_mem>>)
    %dma_wait3A_73 = arith.constant 192 : i32
    %dma_wait3A_74 = tpu.memref_slice %arg5[%dma_wait3A_73] : memref<1024xi32, #tpu.memory_space<vmem>> -> memref<64xi32, #tpu.memory_space<vmem>>
    %dma_wait3A_75 = arith.constant 0 : i32
    %dma_wait3A_76 = arith.constant 0 : i32
    %dma_wait3A_77 = tpu.memref_slice %arg2[%dma_wait3A_75, %dma_wait3A_76] : memref<8192x256xf32, #tpu.memory_space<hbm>> -> memref<8192x256xf32, #tpu.memory_space<hbm>>
    tpu.wait_indirect_dma semaphore(%arg15 : memref<!tpu.dma_semaphore, #tpu.memory_space<semaphore_mem>>) src(%dma_wait3A_77 : memref<8192x256xf32, #tpu.memory_space<hbm>>) dst(%arg9 : memref<64x256xf32, #tpu.memory_space<vmem>>)
    %add3A_78 = arith.constant 192 : i32
    %add3A_79 = arith.addi %mul3A_2, %add3A_78 : i32
    %dma_start3A_80 = arith.constant 0 : i32
    %dma_start3A_81 = tpu.memref_slice %arg4[%add3A_79, %dma_start3A_80] : memref<32768x256xf32, #tpu.memory_space<hbm>> -> memref<64x256xf32, #tpu.memory_space<hbm>>
    %dma_start3A_82 = arith.constant 0 : i32
    %dma_start3A_83 = tpu.memref_slice %arg4[%add3A_79, %dma_start3A_82] : memref<32768x256xf32, #tpu.memory_space<hbm>> -> memref<64x256xf32, #tpu.memory_space<hbm>>
    tpu.enqueue_dma source(%arg9 : memref<64x256xf32, #tpu.memory_space<vmem>>) target(%dma_start3A_83 : memref<64x256xf32, #tpu.memory_space<hbm>>) target_semaphore(%arg21 : memref<!tpu.dma_semaphore, #tpu.memory_space<semaphore_mem>>)
    %dma_wait3A_84 = arith.constant 0 : i32
    %dma_wait3A_85 = tpu.memref_slice %arg4[%add3A_43, %dma_wait3A_84] : memref<32768x256xf32, #tpu.memory_space<hbm>> -> memref<64x256xf32, #tpu.memory_space<hbm>>
    %dma_wait3A_86 = arith.constant 0 : i32
    %dma_wait3A_87 = tpu.memref_slice %arg4[%add3A_43, %dma_wait3A_86] : memref<32768x256xf32, #tpu.memory_space<hbm>> -> memref<64x256xf32, #tpu.memory_space<hbm>>
    tpu.wait_dma2 semaphore(%arg19 : memref<!tpu.dma_semaphore, #tpu.memory_space<semaphore_mem>>) src(%arg7 : memref<64x256xf32, #tpu.memory_space<vmem>>) dst(%dma_wait3A_87 : memref<64x256xf32, #tpu.memory_space<hbm>>)
    %dma_start3A_88 = arith.constant 448 : i32
    %dma_start3A_89 = tpu.memref_slice %arg5[%dma_start3A_88] : memref<1024xi32, #tpu.memory_space<vmem>> -> memref<64xi32, #tpu.memory_space<vmem>>
    %dma_start3A_90 = arith.constant 0 : i32
    %dma_start3A_91 = arith.constant 0 : i32
    %dma_start3A_92 = tpu.memref_slice %arg2[%dma_start3A_90, %dma_start3A_91] : memref<8192x256xf32, #tpu.memory_space<hbm>> -> memref<8192x256xf32, #tpu.memory_space<hbm>>
    tpu.enqueue_indirect_dma source(%dma_start3A_92 : memref<8192x256xf32, #tpu.memory_space<hbm>>) target(%arg7 : memref<64x256xf32, #tpu.memory_space<vmem>>) offsets(%dma_start3A_89 : memref<64xi32, #tpu.memory_space<vmem>>) semaphore(%arg13 : memref<!tpu.dma_semaphore, #tpu.memory_space<semaphore_mem>>)
    %dma_wait3A_93 = arith.constant 256 : i32
    %dma_wait3A_94 = tpu.memref_slice %arg5[%dma_wait3A_93] : memref<1024xi32, #tpu.memory_space<vmem>> -> memref<64xi32, #tpu.memory_space<vmem>>
    %dma_wait3A_95 = arith.constant 0 : i32
    %dma_wait3A_96 = arith.constant 0 : i32
    %dma_wait3A_97 = tpu.memref_slice %arg2[%dma_wait3A_95, %dma_wait3A_96] : memref<8192x256xf32, #tpu.memory_space<hbm>> -> memref<8192x256xf32, #tpu.memory_space<hbm>>
    tpu.wait_indirect_dma semaphore(%arg16 : memref<!tpu.dma_semaphore, #tpu.memory_space<semaphore_mem>>) src(%dma_wait3A_97 : memref<8192x256xf32, #tpu.memory_space<hbm>>) dst(%arg10 : memref<64x256xf32, #tpu.memory_space<vmem>>)
    %add3A_98 = arith.constant 256 : i32
    %add3A_99 = arith.addi %mul3A_2, %add3A_98 : i32
    %dma_start3A_100 = arith.constant 0 : i32
    %dma_start3A_101 = tpu.memref_slice %arg4[%add3A_99, %dma_start3A_100] : memref<32768x256xf32, #tpu.memory_space<hbm>> -> memref<64x256xf32, #tpu.memory_space<hbm>>
    %dma_start3A_102 = arith.constant 0 : i32
    %dma_start3A_103 = tpu.memref_slice %arg4[%add3A_99, %dma_start3A_102] : memref<32768x256xf32, #tpu.memory_space<hbm>> -> memref<64x256xf32, #tpu.memory_space<hbm>>
    tpu.enqueue_dma source(%arg10 : memref<64x256xf32, #tpu.memory_space<vmem>>) target(%dma_start3A_103 : memref<64x256xf32, #tpu.memory_space<hbm>>) target_semaphore(%arg22 : memref<!tpu.dma_semaphore, #tpu.memory_space<semaphore_mem>>)
    %dma_wait3A_104 = arith.constant 0 : i32
    %dma_wait3A_105 = tpu.memref_slice %arg4[%add3A_59, %dma_wait3A_104] : memref<32768x256xf32, #tpu.memory_space<hbm>> -> memref<64x256xf32, #tpu.memory_space<hbm>>
    %dma_wait3A_106 = arith.constant 0 : i32
    %dma_wait3A_107 = tpu.memref_slice %arg4[%add3A_59, %dma_wait3A_106] : memref<32768x256xf32, #tpu.memory_space<hbm>> -> memref<64x256xf32, #tpu.memory_space<hbm>>
    tpu.wait_dma2 semaphore(%arg20 : memref<!tpu.dma_semaphore, #tpu.memory_space<semaphore_mem>>) src(%arg8 : memref<64x256xf32, #tpu.memory_space<vmem>>) dst(%dma_wait3A_107 : memref<64x256xf32, #tpu.memory_space<hbm>>)
    %dma_start3A_108 = arith.constant 512 : i32
    %dma_start3A_109 = tpu.memref_slice %arg5[%dma_start3A_108] : memref<1024xi32, #tpu.memory_space<vmem>> -> memref<64xi32, #tpu.memory_space<vmem>>
    %dma_start3A_110 = arith.constant 0 : i32
    %dma_start3A_111 = arith.constant 0 : i32
    %dma_start3A_112 = tpu.memref_slice %arg2[%dma_start3A_110, %dma_start3A_111] : memref<8192x256xf32, #tpu.memory_space<hbm>> -> memref<8192x256xf32, #tpu.memory_space<hbm>>
    tpu.enqueue_indirect_dma source(%dma_start3A_112 : memref<8192x256xf32, #tpu.memory_space<hbm>>) target(%arg8 : memref<64x256xf32, #tpu.memory_space<vmem>>) offsets(%dma_start3A_109 : memref<64xi32, #tpu.memory_space<vmem>>) semaphore(%arg14 : memref<!tpu.dma_semaphore, #tpu.memory_space<semaphore_mem>>)
    %dma_wait3A_113 = arith.constant 320 : i32
    %dma_wait3A_114 = tpu.memref_slice %arg5[%dma_wait3A_113] : memref<1024xi32, #tpu.memory_space<vmem>> -> memref<64xi32, #tpu.memory_space<vmem>>
    %dma_wait3A_115 = arith.constant 0 : i32
    %dma_wait3A_116 = arith.constant 0 : i32
    %dma_wait3A_117 = tpu.memref_slice %arg2[%dma_wait3A_115, %dma_wait3A_116] : memref<8192x256xf32, #tpu.memory_space<hbm>> -> memref<8192x256xf32, #tpu.memory_space<hbm>>
    tpu.wait_indirect_dma semaphore(%arg17 : memref<!tpu.dma_semaphore, #tpu.memory_space<semaphore_mem>>) src(%dma_wait3A_117 : memref<8192x256xf32, #tpu.memory_space<hbm>>) dst(%arg11 : memref<64x256xf32, #tpu.memory_space<vmem>>)
    %add3A_118 = arith.constant 320 : i32
    %add3A_119 = arith.addi %mul3A_2, %add3A_118 : i32
    %dma_start3A_120 = arith.constant 0 : i32
    %dma_start3A_121 = tpu.memref_slice %arg4[%add3A_119, %dma_start3A_120] : memref<32768x256xf32, #tpu.memory_space<hbm>> -> memref<64x256xf32, #tpu.memory_space<hbm>>
    %dma_start3A_122 = arith.constant 0 : i32
    %dma_start3A_123 = tpu.memref_slice %arg4[%add3A_119, %dma_start3A_122] : memref<32768x256xf32, #tpu.memory_space<hbm>> -> memref<64x256xf32, #tpu.memory_space<hbm>>
    tpu.enqueue_dma source(%arg11 : memref<64x256xf32, #tpu.memory_space<vmem>>) target(%dma_start3A_123 : memref<64x256xf32, #tpu.memory_space<hbm>>) target_semaphore(%arg23 : memref<!tpu.dma_semaphore, #tpu.memory_space<semaphore_mem>>)
    %dma_wait3A_124 = arith.constant 0 : i32
    %dma_wait3A_125 = tpu.memref_slice %arg4[%add3A_79, %dma_wait3A_124] : memref<32768x256xf32, #tpu.memory_space<hbm>> -> memref<64x256xf32, #tpu.memory_space<hbm>>
    %dma_wait3A_126 = arith.constant 0 : i32
    %dma_wait3A_127 = tpu.memref_slice %arg4[%add3A_79, %dma_wait3A_126] : memref<32768x256xf32, #tpu.memory_space<hbm>> -> memref<64x256xf32, #tpu.memory_space<hbm>>
    tpu.wait_dma2 semaphore(%arg21 : memref<!tpu.dma_semaphore, #tpu.memory_space<semaphore_mem>>) src(%arg9 : memref<64x256xf32, #tpu.memory_space<vmem>>) dst(%dma_wait3A_127 : memref<64x256xf32, #tpu.memory_space<hbm>>)
    %dma_start3A_128 = arith.constant 576 : i32
    %dma_start3A_129 = tpu.memref_slice %arg5[%dma_start3A_128] : memref<1024xi32, #tpu.memory_space<vmem>> -> memref<64xi32, #tpu.memory_space<vmem>>
    %dma_start3A_130 = arith.constant 0 : i32
    %dma_start3A_131 = arith.constant 0 : i32
    %dma_start3A_132 = tpu.memref_slice %arg2[%dma_start3A_130, %dma_start3A_131] : memref<8192x256xf32, #tpu.memory_space<hbm>> -> memref<8192x256xf32, #tpu.memory_space<hbm>>
    tpu.enqueue_indirect_dma source(%dma_start3A_132 : memref<8192x256xf32, #tpu.memory_space<hbm>>) target(%arg9 : memref<64x256xf32, #tpu.memory_space<vmem>>) offsets(%dma_start3A_129 : memref<64xi32, #tpu.memory_space<vmem>>) semaphore(%arg15 : memref<!tpu.dma_semaphore, #tpu.memory_space<semaphore_mem>>)
    %dma_wait3A_133 = arith.constant 384 : i32
    %dma_wait3A_134 = tpu.memref_slice %arg5[%dma_wait3A_133] : memref<1024xi32, #tpu.memory_space<vmem>> -> memref<64xi32, #tpu.memory_space<vmem>>
    %dma_wait3A_135 = arith.constant 0 : i32
    %dma_wait3A_136 = arith.constant 0 : i32
    %dma_wait3A_137 = tpu.memref_slice %arg2[%dma_wait3A_135, %dma_wait3A_136] : memref<8192x256xf32, #tpu.memory_space<hbm>> -> memref<8192x256xf32, #tpu.memory_space<hbm>>
    tpu.wait_indirect_dma semaphore(%arg12 : memref<!tpu.dma_semaphore, #tpu.memory_space<semaphore_mem>>) src(%dma_wait3A_137 : memref<8192x256xf32, #tpu.memory_space<hbm>>) dst(%arg6 : memref<64x256xf32, #tpu.memory_space<vmem>>)
    %add3A_138 = arith.constant 384 : i32
    %add3A_139 = arith.addi %mul3A_2, %add3A_138 : i32
    %dma_start3A_140 = arith.constant 0 : i32
    %dma_start3A_141 = tpu.memref_slice %arg4[%add3A_139, %dma_start3A_140] : memref<32768x256xf32, #tpu.memory_space<hbm>> -> memref<64x256xf32, #tpu.memory_space<hbm>>
    %dma_start3A_142 = arith.constant 0 : i32
    %dma_start3A_143 = tpu.memref_slice %arg4[%add3A_139, %dma_start3A_142] : memref<32768x256xf32, #tpu.memory_space<hbm>> -> memref<64x256xf32, #tpu.memory_space<hbm>>
    tpu.enqueue_dma source(%arg6 : memref<64x256xf32, #tpu.memory_space<vmem>>) target(%dma_start3A_143 : memref<64x256xf32, #tpu.memory_space<hbm>>) target_semaphore(%arg18 : memref<!tpu.dma_semaphore, #tpu.memory_space<semaphore_mem>>)
    %dma_wait3A_144 = arith.constant 0 : i32
    %dma_wait3A_145 = tpu.memref_slice %arg4[%add3A_99, %dma_wait3A_144] : memref<32768x256xf32, #tpu.memory_space<hbm>> -> memref<64x256xf32, #tpu.memory_space<hbm>>
    %dma_wait3A_146 = arith.constant 0 : i32
    %dma_wait3A_147 = tpu.memref_slice %arg4[%add3A_99, %dma_wait3A_146] : memref<32768x256xf32, #tpu.memory_space<hbm>> -> memref<64x256xf32, #tpu.memory_space<hbm>>
    tpu.wait_dma2 semaphore(%arg22 : memref<!tpu.dma_semaphore, #tpu.memory_space<semaphore_mem>>) src(%arg10 : memref<64x256xf32, #tpu.memory_space<vmem>>) dst(%dma_wait3A_147 : memref<64x256xf32, #tpu.memory_space<hbm>>)
    %dma_start3A_148 = arith.constant 640 : i32
    %dma_start3A_149 = tpu.memref_slice %arg5[%dma_start3A_148] : memref<1024xi32, #tpu.memory_space<vmem>> -> memref<64xi32, #tpu.memory_space<vmem>>
    %dma_start3A_150 = arith.constant 0 : i32
    %dma_start3A_151 = arith.constant 0 : i32
    %dma_start3A_152 = tpu.memref_slice %arg2[%dma_start3A_150, %dma_start3A_151] : memref<8192x256xf32, #tpu.memory_space<hbm>> -> memref<8192x256xf32, #tpu.memory_space<hbm>>
    tpu.enqueue_indirect_dma source(%dma_start3A_152 : memref<8192x256xf32, #tpu.memory_space<hbm>>) target(%arg10 : memref<64x256xf32, #tpu.memory_space<vmem>>) offsets(%dma_start3A_149 : memref<64xi32, #tpu.memory_space<vmem>>) semaphore(%arg16 : memref<!tpu.dma_semaphore, #tpu.memory_space<semaphore_mem>>)
    %dma_wait3A_153 = arith.constant 448 : i32
    %dma_wait3A_154 = tpu.memref_slice %arg5[%dma_wait3A_153] : memref<1024xi32, #tpu.memory_space<vmem>> -> memref<64xi32, #tpu.memory_space<vmem>>
    %dma_wait3A_155 = arith.constant 0 : i32
    %dma_wait3A_156 = arith.constant 0 : i32
    %dma_wait3A_157 = tpu.memref_slice %arg2[%dma_wait3A_155, %dma_wait3A_156] : memref<8192x256xf32, #tpu.memory_space<hbm>> -> memref<8192x256xf32, #tpu.memory_space<hbm>>
    tpu.wait_indirect_dma semaphore(%arg13 : memref<!tpu.dma_semaphore, #tpu.memory_space<semaphore_mem>>) src(%dma_wait3A_157 : memref<8192x256xf32, #tpu.memory_space<hbm>>) dst(%arg7 : memref<64x256xf32, #tpu.memory_space<vmem>>)
    %add3A_158 = arith.constant 448 : i32
    %add3A_159 = arith.addi %mul3A_2, %add3A_158 : i32
    %dma_start3A_160 = arith.constant 0 : i32
    %dma_start3A_161 = tpu.memref_slice %arg4[%add3A_159, %dma_start3A_160] : memref<32768x256xf32, #tpu.memory_space<hbm>> -> memref<64x256xf32, #tpu.memory_space<hbm>>
    %dma_start3A_162 = arith.constant 0 : i32
    %dma_start3A_163 = tpu.memref_slice %arg4[%add3A_159, %dma_start3A_162] : memref<32768x256xf32, #tpu.memory_space<hbm>> -> memref<64x256xf32, #tpu.memory_space<hbm>>
    tpu.enqueue_dma source(%arg7 : memref<64x256xf32, #tpu.memory_space<vmem>>) target(%dma_start3A_163 : memref<64x256xf32, #tpu.memory_space<hbm>>) target_semaphore(%arg19 : memref<!tpu.dma_semaphore, #tpu.memory_space<semaphore_mem>>)
    %dma_wait3A_164 = arith.constant 0 : i32
    %dma_wait3A_165 = tpu.memref_slice %arg4[%add3A_119, %dma_wait3A_164] : memref<32768x256xf32, #tpu.memory_space<hbm>> -> memref<64x256xf32, #tpu.memory_space<hbm>>
    %dma_wait3A_166 = arith.constant 0 : i32
    %dma_wait3A_167 = tpu.memref_slice %arg4[%add3A_119, %dma_wait3A_166] : memref<32768x256xf32, #tpu.memory_space<hbm>> -> memref<64x256xf32, #tpu.memory_space<hbm>>
    tpu.wait_dma2 semaphore(%arg23 : memref<!tpu.dma_semaphore, #tpu.memory_space<semaphore_mem>>) src(%arg11 : memref<64x256xf32, #tpu.memory_space<vmem>>) dst(%dma_wait3A_167 : memref<64x256xf32, #tpu.memory_space<hbm>>)
    %dma_start3A_168 = arith.constant 704 : i32
    %dma_start3A_169 = tpu.memref_slice %arg5[%dma_start3A_168] : memref<1024xi32, #tpu.memory_space<vmem>> -> memref<64xi32, #tpu.memory_space<vmem>>
    %dma_start3A_170 = arith.constant 0 : i32
    %dma_start3A_171 = arith.constant 0 : i32
    %dma_start3A_172 = tpu.memref_slice %arg2[%dma_start3A_170, %dma_start3A_171] : memref<8192x256xf32, #tpu.memory_space<hbm>> -> memref<8192x256xf32, #tpu.memory_space<hbm>>
    tpu.enqueue_indirect_dma source(%dma_start3A_172 : memref<8192x256xf32, #tpu.memory_space<hbm>>) target(%arg11 : memref<64x256xf32, #tpu.memory_space<vmem>>) offsets(%dma_start3A_169 : memref<64xi32, #tpu.memory_space<vmem>>) semaphore(%arg17 : memref<!tpu.dma_semaphore, #tpu.memory_space<semaphore_mem>>)
    %dma_wait3A_173 = arith.constant 512 : i32
    %dma_wait3A_174 = tpu.memref_slice %arg5[%dma_wait3A_173] : memref<1024xi32, #tpu.memory_space<vmem>> -> memref<64xi32, #tpu.memory_space<vmem>>
    %dma_wait3A_175 = arith.constant 0 : i32
    %dma_wait3A_176 = arith.constant 0 : i32
    %dma_wait3A_177 = tpu.memref_slice %arg2[%dma_wait3A_175, %dma_wait3A_176] : memref<8192x256xf32, #tpu.memory_space<hbm>> -> memref<8192x256xf32, #tpu.memory_space<hbm>>
    tpu.wait_indirect_dma semaphore(%arg14 : memref<!tpu.dma_semaphore, #tpu.memory_space<semaphore_mem>>) src(%dma_wait3A_177 : memref<8192x256xf32, #tpu.memory_space<hbm>>) dst(%arg8 : memref<64x256xf32, #tpu.memory_space<vmem>>)
    %add3A_178 = arith.constant 512 : i32
    %add3A_179 = arith.addi %mul3A_2, %add3A_178 : i32
    %dma_start3A_180 = arith.constant 0 : i32
    %dma_start3A_181 = tpu.memref_slice %arg4[%add3A_179, %dma_start3A_180] : memref<32768x256xf32, #tpu.memory_space<hbm>> -> memref<64x256xf32, #tpu.memory_space<hbm>>
    %dma_start3A_182 = arith.constant 0 : i32
    %dma_start3A_183 = tpu.memref_slice %arg4[%add3A_179, %dma_start3A_182] : memref<32768x256xf32, #tpu.memory_space<hbm>> -> memref<64x256xf32, #tpu.memory_space<hbm>>
    tpu.enqueue_dma source(%arg8 : memref<64x256xf32, #tpu.memory_space<vmem>>) target(%dma_start3A_183 : memref<64x256xf32, #tpu.memory_space<hbm>>) target_semaphore(%arg20 : memref<!tpu.dma_semaphore, #tpu.memory_space<semaphore_mem>>)
    %dma_wait3A_184 = arith.constant 0 : i32
    %dma_wait3A_185 = tpu.memref_slice %arg4[%add3A_139, %dma_wait3A_184] : memref<32768x256xf32, #tpu.memory_space<hbm>> -> memref<64x256xf32, #tpu.memory_space<hbm>>
    %dma_wait3A_186 = arith.constant 0 : i32
    %dma_wait3A_187 = tpu.memref_slice %arg4[%add3A_139, %dma_wait3A_186] : memref<32768x256xf32, #tpu.memory_space<hbm>> -> memref<64x256xf32, #tpu.memory_space<hbm>>
    tpu.wait_dma2 semaphore(%arg18 : memref<!tpu.dma_semaphore, #tpu.memory_space<semaphore_mem>>) src(%arg6 : memref<64x256xf32, #tpu.memory_space<vmem>>) dst(%dma_wait3A_187 : memref<64x256xf32, #tpu.memory_space<hbm>>)
    %dma_start3A_188 = arith.constant 768 : i32
    %dma_start3A_189 = tpu.memref_slice %arg5[%dma_start3A_188] : memref<1024xi32, #tpu.memory_space<vmem>> -> memref<64xi32, #tpu.memory_space<vmem>>
    %dma_start3A_190 = arith.constant 0 : i32
    %dma_start3A_191 = arith.constant 0 : i32
    %dma_start3A_192 = tpu.memref_slice %arg2[%dma_start3A_190, %dma_start3A_191] : memref<8192x256xf32, #tpu.memory_space<hbm>> -> memref<8192x256xf32, #tpu.memory_space<hbm>>
    tpu.enqueue_indirect_dma source(%dma_start3A_192 : memref<8192x256xf32, #tpu.memory_space<hbm>>) target(%arg6 : memref<64x256xf32, #tpu.memory_space<vmem>>) offsets(%dma_start3A_189 : memref<64xi32, #tpu.memory_space<vmem>>) semaphore(%arg12 : memref<!tpu.dma_semaphore, #tpu.memory_space<semaphore_mem>>)
    %dma_wait3A_193 = arith.constant 576 : i32
    %dma_wait3A_194 = tpu.memref_slice %arg5[%dma_wait3A_193] : memref<1024xi32, #tpu.memory_space<vmem>> -> memref<64xi32, #tpu.memory_space<vmem>>
    %dma_wait3A_195 = arith.constant 0 : i32
    %dma_wait3A_196 = arith.constant 0 : i32
    %dma_wait3A_197 = tpu.memref_slice %arg2[%dma_wait3A_195, %dma_wait3A_196] : memref<8192x256xf32, #tpu.memory_space<hbm>> -> memref<8192x256xf32, #tpu.memory_space<hbm>>
    tpu.wait_indirect_dma semaphore(%arg15 : memref<!tpu.dma_semaphore, #tpu.memory_space<semaphore_mem>>) src(%dma_wait3A_197 : memref<8192x256xf32, #tpu.memory_space<hbm>>) dst(%arg9 : memref<64x256xf32, #tpu.memory_space<vmem>>)
    %add3A_198 = arith.constant 576 : i32
    %add3A_199 = arith.addi %mul3A_2, %add3A_198 : i32
    %dma_start3A_200 = arith.constant 0 : i32
    %dma_start3A_201 = tpu.memref_slice %arg4[%add3A_199, %dma_start3A_200] : memref<32768x256xf32, #tpu.memory_space<hbm>> -> memref<64x256xf32, #tpu.memory_space<hbm>>
    %dma_start3A_202 = arith.constant 0 : i32
    %dma_start3A_203 = tpu.memref_slice %arg4[%add3A_199, %dma_start3A_202] : memref<32768x256xf32, #tpu.memory_space<hbm>> -> memref<64x256xf32, #tpu.memory_space<hbm>>
    tpu.enqueue_dma source(%arg9 : memref<64x256xf32, #tpu.memory_space<vmem>>) target(%dma_start3A_203 : memref<64x256xf32, #tpu.memory_space<hbm>>) target_semaphore(%arg21 : memref<!tpu.dma_semaphore, #tpu.memory_space<semaphore_mem>>)
    %dma_wait3A_204 = arith.constant 0 : i32
    %dma_wait3A_205 = tpu.memref_slice %arg4[%add3A_159, %dma_wait3A_204] : memref<32768x256xf32, #tpu.memory_space<hbm>> -> memref<64x256xf32, #tpu.memory_space<hbm>>
    %dma_wait3A_206 = arith.constant 0 : i32
    %dma_wait3A_207 = tpu.memref_slice %arg4[%add3A_159, %dma_wait3A_206] : memref<32768x256xf32, #tpu.memory_space<hbm>> -> memref<64x256xf32, #tpu.memory_space<hbm>>
    tpu.wait_dma2 semaphore(%arg19 : memref<!tpu.dma_semaphore, #tpu.memory_space<semaphore_mem>>) src(%arg7 : memref<64x256xf32, #tpu.memory_space<vmem>>) dst(%dma_wait3A_207 : memref<64x256xf32, #tpu.memory_space<hbm>>)
    %dma_start3A_208 = arith.constant 832 : i32
    %dma_start3A_209 = tpu.memref_slice %arg5[%dma_start3A_208] : memref<1024xi32, #tpu.memory_space<vmem>> -> memref<64xi32, #tpu.memory_space<vmem>>
    %dma_start3A_210 = arith.constant 0 : i32
    %dma_start3A_211 = arith.constant 0 : i32
    %dma_start3A_212 = tpu.memref_slice %arg2[%dma_start3A_210, %dma_start3A_211] : memref<8192x256xf32, #tpu.memory_space<hbm>> -> memref<8192x256xf32, #tpu.memory_space<hbm>>
    tpu.enqueue_indirect_dma source(%dma_start3A_212 : memref<8192x256xf32, #tpu.memory_space<hbm>>) target(%arg7 : memref<64x256xf32, #tpu.memory_space<vmem>>) offsets(%dma_start3A_209 : memref<64xi32, #tpu.memory_space<vmem>>) semaphore(%arg13 : memref<!tpu.dma_semaphore, #tpu.memory_space<semaphore_mem>>)
    %dma_wait3A_213 = arith.constant 640 : i32
    %dma_wait3A_214 = tpu.memref_slice %arg5[%dma_wait3A_213] : memref<1024xi32, #tpu.memory_space<vmem>> -> memref<64xi32, #tpu.memory_space<vmem>>
    %dma_wait3A_215 = arith.constant 0 : i32
    %dma_wait3A_216 = arith.constant 0 : i32
    %dma_wait3A_217 = tpu.memref_slice %arg2[%dma_wait3A_215, %dma_wait3A_216] : memref<8192x256xf32, #tpu.memory_space<hbm>> -> memref<8192x256xf32, #tpu.memory_space<hbm>>
    tpu.wait_indirect_dma semaphore(%arg16 : memref<!tpu.dma_semaphore, #tpu.memory_space<semaphore_mem>>) src(%dma_wait3A_217 : memref<8192x256xf32, #tpu.memory_space<hbm>>) dst(%arg10 : memref<64x256xf32, #tpu.memory_space<vmem>>)
    %add3A_218 = arith.constant 640 : i32
    %add3A_219 = arith.addi %mul3A_2, %add3A_218 : i32
    %dma_start3A_220 = arith.constant 0 : i32
    %dma_start3A_221 = tpu.memref_slice %arg4[%add3A_219, %dma_start3A_220] : memref<32768x256xf32, #tpu.memory_space<hbm>> -> memref<64x256xf32, #tpu.memory_space<hbm>>
    %dma_start3A_222 = arith.constant 0 : i32
    %dma_start3A_223 = tpu.memref_slice %arg4[%add3A_219, %dma_start3A_222] : memref<32768x256xf32, #tpu.memory_space<hbm>> -> memref<64x256xf32, #tpu.memory_space<hbm>>
    tpu.enqueue_dma source(%arg10 : memref<64x256xf32, #tpu.memory_space<vmem>>) target(%dma_start3A_223 : memref<64x256xf32, #tpu.memory_space<hbm>>) target_semaphore(%arg22 : memref<!tpu.dma_semaphore, #tpu.memory_space<semaphore_mem>>)
    %dma_wait3A_224 = arith.constant 0 : i32
    %dma_wait3A_225 = tpu.memref_slice %arg4[%add3A_179, %dma_wait3A_224] : memref<32768x256xf32, #tpu.memory_space<hbm>> -> memref<64x256xf32, #tpu.memory_space<hbm>>
    %dma_wait3A_226 = arith.constant 0 : i32
    %dma_wait3A_227 = tpu.memref_slice %arg4[%add3A_179, %dma_wait3A_226] : memref<32768x256xf32, #tpu.memory_space<hbm>> -> memref<64x256xf32, #tpu.memory_space<hbm>>
    tpu.wait_dma2 semaphore(%arg20 : memref<!tpu.dma_semaphore, #tpu.memory_space<semaphore_mem>>) src(%arg8 : memref<64x256xf32, #tpu.memory_space<vmem>>) dst(%dma_wait3A_227 : memref<64x256xf32, #tpu.memory_space<hbm>>)
    %dma_start3A_228 = arith.constant 896 : i32
    %dma_start3A_229 = tpu.memref_slice %arg5[%dma_start3A_228] : memref<1024xi32, #tpu.memory_space<vmem>> -> memref<64xi32, #tpu.memory_space<vmem>>
    %dma_start3A_230 = arith.constant 0 : i32
    %dma_start3A_231 = arith.constant 0 : i32
    %dma_start3A_232 = tpu.memref_slice %arg2[%dma_start3A_230, %dma_start3A_231] : memref<8192x256xf32, #tpu.memory_space<hbm>> -> memref<8192x256xf32, #tpu.memory_space<hbm>>
    tpu.enqueue_indirect_dma source(%dma_start3A_232 : memref<8192x256xf32, #tpu.memory_space<hbm>>) target(%arg8 : memref<64x256xf32, #tpu.memory_space<vmem>>) offsets(%dma_start3A_229 : memref<64xi32, #tpu.memory_space<vmem>>) semaphore(%arg14 : memref<!tpu.dma_semaphore, #tpu.memory_space<semaphore_mem>>)
    %dma_wait3A_233 = arith.constant 704 : i32
    %dma_wait3A_234 = tpu.memref_slice %arg5[%dma_wait3A_233] : memref<1024xi32, #tpu.memory_space<vmem>> -> memref<64xi32, #tpu.memory_space<vmem>>
    %dma_wait3A_235 = arith.constant 0 : i32
    %dma_wait3A_236 = arith.constant 0 : i32
    %dma_wait3A_237 = tpu.memref_slice %arg2[%dma_wait3A_235, %dma_wait3A_236] : memref<8192x256xf32, #tpu.memory_space<hbm>> -> memref<8192x256xf32, #tpu.memory_space<hbm>>
    tpu.wait_indirect_dma semaphore(%arg17 : memref<!tpu.dma_semaphore, #tpu.memory_space<semaphore_mem>>) src(%dma_wait3A_237 : memref<8192x256xf32, #tpu.memory_space<hbm>>) dst(%arg11 : memref<64x256xf32, #tpu.memory_space<vmem>>)
    %add3A_238 = arith.constant 704 : i32
    %add3A_239 = arith.addi %mul3A_2, %add3A_238 : i32
    %dma_start3A_240 = arith.constant 0 : i32
    %dma_start3A_241 = tpu.memref_slice %arg4[%add3A_239, %dma_start3A_240] : memref<32768x256xf32, #tpu.memory_space<hbm>> -> memref<64x256xf32, #tpu.memory_space<hbm>>
    %dma_start3A_242 = arith.constant 0 : i32
    %dma_start3A_243 = tpu.memref_slice %arg4[%add3A_239, %dma_start3A_242] : memref<32768x256xf32, #tpu.memory_space<hbm>> -> memref<64x256xf32, #tpu.memory_space<hbm>>
    tpu.enqueue_dma source(%arg11 : memref<64x256xf32, #tpu.memory_space<vmem>>) target(%dma_start3A_243 : memref<64x256xf32, #tpu.memory_space<hbm>>) target_semaphore(%arg23 : memref<!tpu.dma_semaphore, #tpu.memory_space<semaphore_mem>>)
    %dma_wait3A_244 = arith.constant 0 : i32
    %dma_wait3A_245 = tpu.memref_slice %arg4[%add3A_199, %dma_wait3A_244] : memref<32768x256xf32, #tpu.memory_space<hbm>> -> memref<64x256xf32, #tpu.memory_space<hbm>>
    %dma_wait3A_246 = arith.constant 0 : i32
    %dma_wait3A_247 = tpu.memref_slice %arg4[%add3A_199, %dma_wait3A_246] : memref<32768x256xf32, #tpu.memory_space<hbm>> -> memref<64x256xf32, #tpu.memory_space<hbm>>
    tpu.wait_dma2 semaphore(%arg21 : memref<!tpu.dma_semaphore, #tpu.memory_space<semaphore_mem>>) src(%arg9 : memref<64x256xf32, #tpu.memory_space<vmem>>) dst(%dma_wait3A_247 : memref<64x256xf32, #tpu.memory_space<hbm>>)
    %dma_start3A_248 = arith.constant 960 : i32
    %dma_start3A_249 = tpu.memref_slice %arg5[%dma_start3A_248] : memref<1024xi32, #tpu.memory_space<vmem>> -> memref<64xi32, #tpu.memory_space<vmem>>
    %dma_start3A_250 = arith.constant 0 : i32
    %dma_start3A_251 = arith.constant 0 : i32
    %dma_start3A_252 = tpu.memref_slice %arg2[%dma_start3A_250, %dma_start3A_251] : memref<8192x256xf32, #tpu.memory_space<hbm>> -> memref<8192x256xf32, #tpu.memory_space<hbm>>
    tpu.enqueue_indirect_dma source(%dma_start3A_252 : memref<8192x256xf32, #tpu.memory_space<hbm>>) target(%arg9 : memref<64x256xf32, #tpu.memory_space<vmem>>) offsets(%dma_start3A_249 : memref<64xi32, #tpu.memory_space<vmem>>) semaphore(%arg15 : memref<!tpu.dma_semaphore, #tpu.memory_space<semaphore_mem>>)
    %dma_wait3A_253 = arith.constant 768 : i32
    %dma_wait3A_254 = tpu.memref_slice %arg5[%dma_wait3A_253] : memref<1024xi32, #tpu.memory_space<vmem>> -> memref<64xi32, #tpu.memory_space<vmem>>
    %dma_wait3A_255 = arith.constant 0 : i32
    %dma_wait3A_256 = arith.constant 0 : i32
    %dma_wait3A_257 = tpu.memref_slice %arg2[%dma_wait3A_255, %dma_wait3A_256] : memref<8192x256xf32, #tpu.memory_space<hbm>> -> memref<8192x256xf32, #tpu.memory_space<hbm>>
    tpu.wait_indirect_dma semaphore(%arg12 : memref<!tpu.dma_semaphore, #tpu.memory_space<semaphore_mem>>) src(%dma_wait3A_257 : memref<8192x256xf32, #tpu.memory_space<hbm>>) dst(%arg6 : memref<64x256xf32, #tpu.memory_space<vmem>>)
    %add3A_258 = arith.constant 768 : i32
    %add3A_259 = arith.addi %mul3A_2, %add3A_258 : i32
    %dma_start3A_260 = arith.constant 0 : i32
    %dma_start3A_261 = tpu.memref_slice %arg4[%add3A_259, %dma_start3A_260] : memref<32768x256xf32, #tpu.memory_space<hbm>> -> memref<64x256xf32, #tpu.memory_space<hbm>>
    %dma_start3A_262 = arith.constant 0 : i32
    %dma_start3A_263 = tpu.memref_slice %arg4[%add3A_259, %dma_start3A_262] : memref<32768x256xf32, #tpu.memory_space<hbm>> -> memref<64x256xf32, #tpu.memory_space<hbm>>
    tpu.enqueue_dma source(%arg6 : memref<64x256xf32, #tpu.memory_space<vmem>>) target(%dma_start3A_263 : memref<64x256xf32, #tpu.memory_space<hbm>>) target_semaphore(%arg18 : memref<!tpu.dma_semaphore, #tpu.memory_space<semaphore_mem>>)
    %dma_wait3A_264 = arith.constant 832 : i32
    %dma_wait3A_265 = tpu.memref_slice %arg5[%dma_wait3A_264] : memref<1024xi32, #tpu.memory_space<vmem>> -> memref<64xi32, #tpu.memory_space<vmem>>
    %dma_wait3A_266 = arith.constant 0 : i32
    %dma_wait3A_267 = arith.constant 0 : i32
    %dma_wait3A_268 = tpu.memref_slice %arg2[%dma_wait3A_266, %dma_wait3A_267] : memref<8192x256xf32, #tpu.memory_space<hbm>> -> memref<8192x256xf32, #tpu.memory_space<hbm>>
    tpu.wait_indirect_dma semaphore(%arg13 : memref<!tpu.dma_semaphore, #tpu.memory_space<semaphore_mem>>) src(%dma_wait3A_268 : memref<8192x256xf32, #tpu.memory_space<hbm>>) dst(%arg7 : memref<64x256xf32, #tpu.memory_space<vmem>>)
    %add3A_269 = arith.constant 832 : i32
    %add3A_270 = arith.addi %mul3A_2, %add3A_269 : i32
    %dma_start3A_271 = arith.constant 0 : i32
    %dma_start3A_272 = tpu.memref_slice %arg4[%add3A_270, %dma_start3A_271] : memref<32768x256xf32, #tpu.memory_space<hbm>> -> memref<64x256xf32, #tpu.memory_space<hbm>>
    %dma_start3A_273 = arith.constant 0 : i32
    %dma_start3A_274 = tpu.memref_slice %arg4[%add3A_270, %dma_start3A_273] : memref<32768x256xf32, #tpu.memory_space<hbm>> -> memref<64x256xf32, #tpu.memory_space<hbm>>
    tpu.enqueue_dma source(%arg7 : memref<64x256xf32, #tpu.memory_space<vmem>>) target(%dma_start3A_274 : memref<64x256xf32, #tpu.memory_space<hbm>>) target_semaphore(%arg19 : memref<!tpu.dma_semaphore, #tpu.memory_space<semaphore_mem>>)
    %dma_wait3A_275 = arith.constant 896 : i32
    %dma_wait3A_276 = tpu.memref_slice %arg5[%dma_wait3A_275] : memref<1024xi32, #tpu.memory_space<vmem>> -> memref<64xi32, #tpu.memory_space<vmem>>
    %dma_wait3A_277 = arith.constant 0 : i32
    %dma_wait3A_278 = arith.constant 0 : i32
    %dma_wait3A_279 = tpu.memref_slice %arg2[%dma_wait3A_277, %dma_wait3A_278] : memref<8192x256xf32, #tpu.memory_space<hbm>> -> memref<8192x256xf32, #tpu.memory_space<hbm>>
    tpu.wait_indirect_dma semaphore(%arg14 : memref<!tpu.dma_semaphore, #tpu.memory_space<semaphore_mem>>) src(%dma_wait3A_279 : memref<8192x256xf32, #tpu.memory_space<hbm>>) dst(%arg8 : memref<64x256xf32, #tpu.memory_space<vmem>>)
    %add3A_280 = arith.constant 896 : i32
    %add3A_281 = arith.addi %mul3A_2, %add3A_280 : i32
    %dma_start3A_282 = arith.constant 0 : i32
    %dma_start3A_283 = tpu.memref_slice %arg4[%add3A_281, %dma_start3A_282] : memref<32768x256xf32, #tpu.memory_space<hbm>> -> memref<64x256xf32, #tpu.memory_space<hbm>>
    %dma_start3A_284 = arith.constant 0 : i32
    %dma_start3A_285 = tpu.memref_slice %arg4[%add3A_281, %dma_start3A_284] : memref<32768x256xf32, #tpu.memory_space<hbm>> -> memref<64x256xf32, #tpu.memory_space<hbm>>
    tpu.enqueue_dma source(%arg8 : memref<64x256xf32, #tpu.memory_space<vmem>>) target(%dma_start3A_285 : memref<64x256xf32, #tpu.memory_space<hbm>>) target_semaphore(%arg20 : memref<!tpu.dma_semaphore, #tpu.memory_space<semaphore_mem>>)
    %dma_wait3A_286 = arith.constant 960 : i32
    %dma_wait3A_287 = tpu.memref_slice %arg5[%dma_wait3A_286] : memref<1024xi32, #tpu.memory_space<vmem>> -> memref<64xi32, #tpu.memory_space<vmem>>
    %dma_wait3A_288 = arith.constant 0 : i32
    %dma_wait3A_289 = arith.constant 0 : i32
    %dma_wait3A_290 = tpu.memref_slice %arg2[%dma_wait3A_288, %dma_wait3A_289] : memref<8192x256xf32, #tpu.memory_space<hbm>> -> memref<8192x256xf32, #tpu.memory_space<hbm>>
    tpu.wait_indirect_dma semaphore(%arg15 : memref<!tpu.dma_semaphore, #tpu.memory_space<semaphore_mem>>) src(%dma_wait3A_290 : memref<8192x256xf32, #tpu.memory_space<hbm>>) dst(%arg9 : memref<64x256xf32, #tpu.memory_space<vmem>>)
    %add3A_291 = arith.constant 960 : i32
    %add3A_292 = arith.addi %mul3A_2, %add3A_291 : i32
    %dma_start3A_293 = arith.constant 0 : i32
    %dma_start3A_294 = tpu.memref_slice %arg4[%add3A_292, %dma_start3A_293] : memref<32768x256xf32, #tpu.memory_space<hbm>> -> memref<64x256xf32, #tpu.memory_space<hbm>>
    %dma_start3A_295 = arith.constant 0 : i32
    %dma_start3A_296 = tpu.memref_slice %arg4[%add3A_292, %dma_start3A_295] : memref<32768x256xf32, #tpu.memory_space<hbm>> -> memref<64x256xf32, #tpu.memory_space<hbm>>
    tpu.enqueue_dma source(%arg9 : memref<64x256xf32, #tpu.memory_space<vmem>>) target(%dma_start3A_296 : memref<64x256xf32, #tpu.memory_space<hbm>>) target_semaphore(%arg21 : memref<!tpu.dma_semaphore, #tpu.memory_space<semaphore_mem>>)
    %dma_wait3A_297 = arith.constant 0 : i32
    %dma_wait3A_298 = tpu.memref_slice %arg4[%add3A_219, %dma_wait3A_297] : memref<32768x256xf32, #tpu.memory_space<hbm>> -> memref<64x256xf32, #tpu.memory_space<hbm>>
    %dma_wait3A_299 = arith.constant 0 : i32
    %dma_wait3A_300 = tpu.memref_slice %arg4[%add3A_219, %dma_wait3A_299] : memref<32768x256xf32, #tpu.memory_space<hbm>> -> memref<64x256xf32, #tpu.memory_space<hbm>>
    tpu.wait_dma2 semaphore(%arg22 : memref<!tpu.dma_semaphore, #tpu.memory_space<semaphore_mem>>) src(%arg10 : memref<64x256xf32, #tpu.memory_space<vmem>>) dst(%dma_wait3A_300 : memref<64x256xf32, #tpu.memory_space<hbm>>)
    %dma_wait3A_301 = arith.constant 0 : i32
    %dma_wait3A_302 = tpu.memref_slice %arg4[%add3A_239, %dma_wait3A_301] : memref<32768x256xf32, #tpu.memory_space<hbm>> -> memref<64x256xf32, #tpu.memory_space<hbm>>
    %dma_wait3A_303 = arith.constant 0 : i32
    %dma_wait3A_304 = tpu.memref_slice %arg4[%add3A_239, %dma_wait3A_303] : memref<32768x256xf32, #tpu.memory_space<hbm>> -> memref<64x256xf32, #tpu.memory_space<hbm>>
    tpu.wait_dma2 semaphore(%arg23 : memref<!tpu.dma_semaphore, #tpu.memory_space<semaphore_mem>>) src(%arg11 : memref<64x256xf32, #tpu.memory_space<vmem>>) dst(%dma_wait3A_304 : memref<64x256xf32, #tpu.memory_space<hbm>>)
    %dma_wait3A_305 = arith.constant 0 : i32
    %dma_wait3A_306 = tpu.memref_slice %arg4[%add3A_259, %dma_wait3A_305] : memref<32768x256xf32, #tpu.memory_space<hbm>> -> memref<64x256xf32, #tpu.memory_space<hbm>>
    %dma_wait3A_307 = arith.constant 0 : i32
    %dma_wait3A_308 = tpu.memref_slice %arg4[%add3A_259, %dma_wait3A_307] : memref<32768x256xf32, #tpu.memory_space<hbm>> -> memref<64x256xf32, #tpu.memory_space<hbm>>
    tpu.wait_dma2 semaphore(%arg18 : memref<!tpu.dma_semaphore, #tpu.memory_space<semaphore_mem>>) src(%arg6 : memref<64x256xf32, #tpu.memory_space<vmem>>) dst(%dma_wait3A_308 : memref<64x256xf32, #tpu.memory_space<hbm>>)
    %dma_wait3A_309 = arith.constant 0 : i32
    %dma_wait3A_310 = tpu.memref_slice %arg4[%add3A_270, %dma_wait3A_309] : memref<32768x256xf32, #tpu.memory_space<hbm>> -> memref<64x256xf32, #tpu.memory_space<hbm>>
    %dma_wait3A_311 = arith.constant 0 : i32
    %dma_wait3A_312 = tpu.memref_slice %arg4[%add3A_270, %dma_wait3A_311] : memref<32768x256xf32, #tpu.memory_space<hbm>> -> memref<64x256xf32, #tpu.memory_space<hbm>>
    tpu.wait_dma2 semaphore(%arg19 : memref<!tpu.dma_semaphore, #tpu.memory_space<semaphore_mem>>) src(%arg7 : memref<64x256xf32, #tpu.memory_space<vmem>>) dst(%dma_wait3A_312 : memref<64x256xf32, #tpu.memory_space<hbm>>)
    %dma_wait3A_313 = arith.constant 0 : i32
    %dma_wait3A_314 = tpu.memref_slice %arg4[%add3A_281, %dma_wait3A_313] : memref<32768x256xf32, #tpu.memory_space<hbm>> -> memref<64x256xf32, #tpu.memory_space<hbm>>
    %dma_wait3A_315 = arith.constant 0 : i32
    %dma_wait3A_316 = tpu.memref_slice %arg4[%add3A_281, %dma_wait3A_315] : memref<32768x256xf32, #tpu.memory_space<hbm>> -> memref<64x256xf32, #tpu.memory_space<hbm>>
    tpu.wait_dma2 semaphore(%arg20 : memref<!tpu.dma_semaphore, #tpu.memory_space<semaphore_mem>>) src(%arg8 : memref<64x256xf32, #tpu.memory_space<vmem>>) dst(%dma_wait3A_316 : memref<64x256xf32, #tpu.memory_space<hbm>>)
    %dma_wait3A_317 = arith.constant 0 : i32
    %dma_wait3A_318 = tpu.memref_slice %arg4[%add3A_292, %dma_wait3A_317] : memref<32768x256xf32, #tpu.memory_space<hbm>> -> memref<64x256xf32, #tpu.memory_space<hbm>>
    %dma_wait3A_319 = arith.constant 0 : i32
    %dma_wait3A_320 = tpu.memref_slice %arg4[%add3A_292, %dma_wait3A_319] : memref<32768x256xf32, #tpu.memory_space<hbm>> -> memref<64x256xf32, #tpu.memory_space<hbm>>
    tpu.wait_dma2 semaphore(%arg21 : memref<!tpu.dma_semaphore, #tpu.memory_space<semaphore_mem>>) src(%arg9 : memref<64x256xf32, #tpu.memory_space<vmem>>) dst(%dma_wait3A_320 : memref<64x256xf32, #tpu.memory_space<hbm>>)
    return
  }
}

module attributes {stable_mosaic.version = 14 : i64} {
  func.func @_argmin_tc_body(%arg0: i32, %arg1: memref<512x8x256xf32, #tpu.memory_space<vmem>>, %arg2: memref<8x1024x256xf32, #tpu.memory_space<vmem>>, %arg3: memref<512x8xi32, #tpu.memory_space<vmem>>, %arg4: memref<512x8xi32, #tpu.memory_space<vmem>>, %arg5: memref<8x1024xf32, #tpu.memory_space<vmem>>) attributes {dimension_semantics = [#tpu.dimension_semantics<arbitrary>], iteration_bounds = array<i64: 8>, scalar_prefetch = 0 : i64, scratch_operands = 1 : i64, tpu.core_type = #tpu.core_type<tc>, window_params = [{transform_indices = @transform_0, window_bounds = array<i64: 512, 8, 256>}, {pipeline_mode = #tpu.pipeline_mode<synchronous>, transform_indices = @transform_1, window_bounds = array<i64: 8, 1024, 256>}, {transform_indices = @transform_2, window_bounds = array<i64: 512, 8>}, {transform_indices = @transform_3, window_bounds = array<i64: 512, 8>}]} {
    %eq3A = arith.constant 0 : i32
    %eq3A_0 = arith.cmpi eq, %arg0, %eq3A : i32
    %convert_element_type3A = arith.extui %eq3A_0 : i1 to i32
    %cond3A = arith.constant 0 : i32
    %cond3A_1 = arith.cmpi ne, %convert_element_type3A, %cond3A : i32
    scf.if %cond3A_1 {
      %get3A_205 = arith.constant 0 : index
      %get3A_206 = arith.constant 0 : index
      %get3A_207 = arith.constant 0 : index
      %get3A_208 = vector.load %arg2[%get3A_205, %get3A_206, %get3A_207] : memref<8x1024x256xf32, #tpu.memory_space<vmem>>, vector<8x1024x256xf32>
      %get3A_209 = arith.constant 0 : index
      %get3A_210 = arith.constant 0 : index
      %get3A_211 = arith.constant 0 : index
      %get3A_212 = vector.load %arg2[%get3A_209, %get3A_210, %get3A_211] : memref<8x1024x256xf32, #tpu.memory_space<vmem>>, vector<8x1024x256xf32>
      %mul3A_213 = arith.mulf %get3A_208, %get3A_212 : vector<8x1024x256xf32>
      %reduce_sum3A = arith.constant dense<0.000000e+00> : vector<8x1024xf32>
      %reduce_sum3A_214 = vector.multi_reduction <add>, %mul3A_213, %reduce_sum3A [2] : vector<8x1024x256xf32> to vector<8x1024xf32>
      %mul3A_215 = arith.constant 5.000000e-01 : f32
      %mul3A_216 = vector.broadcast %mul3A_215 : f32 to vector<8x1024xf32>
      %mul3A_217 = arith.mulf %mul3A_216, %reduce_sum3A_214 : vector<8x1024xf32>
      %swap3A_218 = arith.constant 0 : index
      %swap3A_219 = arith.constant 0 : index
      %swap3A_220 = vector.load %arg5[%swap3A_218, %swap3A_219] : memref<8x1024xf32, #tpu.memory_space<vmem>>, vector<8x1024xf32>
      tpu.vector_store %arg5[%swap3A_218, %swap3A_219], %mul3A_217 {strides = array<i32>} : memref<8x1024xf32, #tpu.memory_space<vmem>>, vector<8x1024xf32>,
    } else {
    }
    %iota3A = tpu.iota {dimensions = array<i32: 1>} : vector<512x8xi32>
    %broadcast_in_dim3A = arith.constant 0 : i32
    %broadcast_in_dim3A_2 = vector.broadcast %broadcast_in_dim3A : i32 to vector<512x8xi32>
    %get3A = arith.constant 0 : index
    %get3A_3 = arith.constant 0 : index
    %get3A_4 = arith.constant 0 : index
    %get3A_5 = vector.load %arg1[%get3A, %get3A_3, %get3A_4] : memref<512x8x256xf32, #tpu.memory_space<vmem>>, vector<512x1x256xf32>
    %get3A_6 = vector.shape_cast %get3A_5 : vector<512x1x256xf32> to vector<512x256xf32>
    %get3A_7 = arith.constant 0 : index
    %get3A_8 = arith.constant 0 : index
    %get3A_9 = arith.constant 0 : index
    %get3A_10 = vector.load %arg2[%get3A_7, %get3A_8, %get3A_9] : memref<8x1024x256xf32, #tpu.memory_space<vmem>>, vector<1x1024x256xf32>
    %get3A_11 = vector.shape_cast %get3A_10 : vector<1x1024x256xf32> to vector<1024x256xf32>
    %dot_general3A = arith.constant dense<0.000000e+00> : vector<512x1024xf32>
    %dot_general3A_12 = tpu.matmul %get3A_6, %get3A_11, %dot_general3A {dimension_numbers = #tpu.dot_dimension_numbers<[1], [1], [0], [0], [0, 0, 1, 0], [], []>, transpose_lhs_hint = false} : vector<512x256xf32>, vector<1024x256xf32>, vector<512x1024xf32> -> vector<512x1024xf32>
    %get3A_13 = arith.constant 0 : index
    %get3A_14 = arith.constant 0 : index
    %get3A_15 = vector.load %arg5[%get3A_13, %get3A_14] : memref<8x1024xf32, #tpu.memory_space<vmem>>, vector<1x1024xf32>
    %sub3A = vector.broadcast %get3A_15 : vector<1x1024xf32> to vector<512x1024xf32>
    %sub3A_16 = arith.subf %sub3A, %dot_general3A_12 : vector<512x1024xf32>
    %argmin3A = tpu.reduce_index %sub3A_16 {axis = 1 : i32, kind = #tpu.reduction_kind<arg_min>} : vector<512x1024xf32> -> vector<512xi32>
    %broadcast_in_dim3A_17 = vector.shape_cast %argmin3A : vector<512xi32> to vector<512x1xi32>
    %eq3A_18 = arith.constant 0 : i32
    %eq3A_19 = vector.broadcast %eq3A_18 : i32 to vector<512x8xi32>
    %eq3A_20 = arith.cmpi eq, %iota3A, %eq3A_19 : vector<512x8xi32>
    %broadcast_in_dim3A_21 = vector.shape_cast %broadcast_in_dim3A_17 : vector<512x1xi32> to vector<512x1xi32>
    %broadcast_in_dim3A_22 = vector.broadcast %broadcast_in_dim3A_21 : vector<512x1xi32> to vector<512x8xi32>
    %select_n3A = arith.select %eq3A_20, %broadcast_in_dim3A_22, %broadcast_in_dim3A_2 : vector<512x8xi1>, vector<512x8xi32>
    %get3A_23 = arith.constant 0 : index
    %get3A_24 = arith.constant 1 : index
    %get3A_25 = arith.constant 0 : index
    %get3A_26 = vector.load %arg1[%get3A_23, %get3A_24, %get3A_25] : memref<512x8x256xf32, #tpu.memory_space<vmem>>, vector<512x1x256xf32>
    %get3A_27 = vector.shape_cast %get3A_26 : vector<512x1x256xf32> to vector<512x256xf32>
    %get3A_28 = arith.constant 1 : index
    %get3A_29 = arith.constant 0 : index
    %get3A_30 = arith.constant 0 : index
    %get3A_31 = vector.load %arg2[%get3A_28, %get3A_29, %get3A_30] : memref<8x1024x256xf32, #tpu.memory_space<vmem>>, vector<1x1024x256xf32>
    %get3A_32 = vector.shape_cast %get3A_31 : vector<1x1024x256xf32> to vector<1024x256xf32>
    %dot_general3A_33 = arith.constant dense<0.000000e+00> : vector<512x1024xf32>
    %dot_general3A_34 = tpu.matmul %get3A_27, %get3A_32, %dot_general3A_33 {dimension_numbers = #tpu.dot_dimension_numbers<[1], [1], [0], [0], [0, 0, 1, 0], [], []>, transpose_lhs_hint = false} : vector<512x256xf32>, vector<1024x256xf32>, vector<512x1024xf32> -> vector<512x1024xf32>
    %get3A_35 = arith.constant 1 : index
    %get3A_36 = arith.constant 0 : index
    %get3A_37 = vector.load %arg5[%get3A_35, %get3A_36] : memref<8x1024xf32, #tpu.memory_space<vmem>>, vector<1x1024xf32>
    %sub3A_38 = vector.broadcast %get3A_37 : vector<1x1024xf32> to vector<512x1024xf32>
    %sub3A_39 = arith.subf %sub3A_38, %dot_general3A_34 : vector<512x1024xf32>
    %argmin3A_40 = tpu.reduce_index %sub3A_39 {axis = 1 : i32, kind = #tpu.reduction_kind<arg_min>} : vector<512x1024xf32> -> vector<512xi32>
    %broadcast_in_dim3A_41 = vector.shape_cast %argmin3A_40 : vector<512xi32> to vector<512x1xi32>
    %eq3A_42 = arith.constant 1 : i32
    %eq3A_43 = vector.broadcast %eq3A_42 : i32 to vector<512x8xi32>
    %eq3A_44 = arith.cmpi eq, %iota3A, %eq3A_43 : vector<512x8xi32>
    %broadcast_in_dim3A_45 = vector.shape_cast %broadcast_in_dim3A_41 : vector<512x1xi32> to vector<512x1xi32>
    %broadcast_in_dim3A_46 = vector.broadcast %broadcast_in_dim3A_45 : vector<512x1xi32> to vector<512x8xi32>
    %select_n3A_47 = arith.select %eq3A_44, %broadcast_in_dim3A_46, %select_n3A : vector<512x8xi1>, vector<512x8xi32>
    %get3A_48 = arith.constant 0 : index
    %get3A_49 = arith.constant 2 : index
    %get3A_50 = arith.constant 0 : index
    %get3A_51 = vector.load %arg1[%get3A_48, %get3A_49, %get3A_50] : memref<512x8x256xf32, #tpu.memory_space<vmem>>, vector<512x1x256xf32>
    %get3A_52 = vector.shape_cast %get3A_51 : vector<512x1x256xf32> to vector<512x256xf32>
    %get3A_53 = arith.constant 2 : index
    %get3A_54 = arith.constant 0 : index
    %get3A_55 = arith.constant 0 : index
    %get3A_56 = vector.load %arg2[%get3A_53, %get3A_54, %get3A_55] : memref<8x1024x256xf32, #tpu.memory_space<vmem>>, vector<1x1024x256xf32>
    %get3A_57 = vector.shape_cast %get3A_56 : vector<1x1024x256xf32> to vector<1024x256xf32>
    %dot_general3A_58 = arith.constant dense<0.000000e+00> : vector<512x1024xf32>
    %dot_general3A_59 = tpu.matmul %get3A_52, %get3A_57, %dot_general3A_58 {dimension_numbers = #tpu.dot_dimension_numbers<[1], [1], [0], [0], [0, 0, 1, 0], [], []>, transpose_lhs_hint = false} : vector<512x256xf32>, vector<1024x256xf32>, vector<512x1024xf32> -> vector<512x1024xf32>
    %get3A_60 = arith.constant 2 : index
    %get3A_61 = arith.constant 0 : index
    %get3A_62 = vector.load %arg5[%get3A_60, %get3A_61] : memref<8x1024xf32, #tpu.memory_space<vmem>>, vector<1x1024xf32>
    %sub3A_63 = vector.broadcast %get3A_62 : vector<1x1024xf32> to vector<512x1024xf32>
    %sub3A_64 = arith.subf %sub3A_63, %dot_general3A_59 : vector<512x1024xf32>
    %argmin3A_65 = tpu.reduce_index %sub3A_64 {axis = 1 : i32, kind = #tpu.reduction_kind<arg_min>} : vector<512x1024xf32> -> vector<512xi32>
    %broadcast_in_dim3A_66 = vector.shape_cast %argmin3A_65 : vector<512xi32> to vector<512x1xi32>
    %eq3A_67 = arith.constant 2 : i32
    %eq3A_68 = vector.broadcast %eq3A_67 : i32 to vector<512x8xi32>
    %eq3A_69 = arith.cmpi eq, %iota3A, %eq3A_68 : vector<512x8xi32>
    %broadcast_in_dim3A_70 = vector.shape_cast %broadcast_in_dim3A_66 : vector<512x1xi32> to vector<512x1xi32>
    %broadcast_in_dim3A_71 = vector.broadcast %broadcast_in_dim3A_70 : vector<512x1xi32> to vector<512x8xi32>
    %select_n3A_72 = arith.select %eq3A_69, %broadcast_in_dim3A_71, %select_n3A_47 : vector<512x8xi1>, vector<512x8xi32>
    %get3A_73 = arith.constant 0 : index
    %get3A_74 = arith.constant 3 : index
    %get3A_75 = arith.constant 0 : index
    %get3A_76 = vector.load %arg1[%get3A_73, %get3A_74, %get3A_75] : memref<512x8x256xf32, #tpu.memory_space<vmem>>, vector<512x1x256xf32>
    %get3A_77 = vector.shape_cast %get3A_76 : vector<512x1x256xf32> to vector<512x256xf32>
    %get3A_78 = arith.constant 3 : index
    %get3A_79 = arith.constant 0 : index
    %get3A_80 = arith.constant 0 : index
    %get3A_81 = vector.load %arg2[%get3A_78, %get3A_79, %get3A_80] : memref<8x1024x256xf32, #tpu.memory_space<vmem>>, vector<1x1024x256xf32>
    %get3A_82 = vector.shape_cast %get3A_81 : vector<1x1024x256xf32> to vector<1024x256xf32>
    %dot_general3A_83 = arith.constant dense<0.000000e+00> : vector<512x1024xf32>
    %dot_general3A_84 = tpu.matmul %get3A_77, %get3A_82, %dot_general3A_83 {dimension_numbers = #tpu.dot_dimension_numbers<[1], [1], [0], [0], [0, 0, 1, 0], [], []>, transpose_lhs_hint = false} : vector<512x256xf32>, vector<1024x256xf32>, vector<512x1024xf32> -> vector<512x1024xf32>
    %get3A_85 = arith.constant 3 : index
    %get3A_86 = arith.constant 0 : index
    %get3A_87 = vector.load %arg5[%get3A_85, %get3A_86] : memref<8x1024xf32, #tpu.memory_space<vmem>>, vector<1x1024xf32>
    %sub3A_88 = vector.broadcast %get3A_87 : vector<1x1024xf32> to vector<512x1024xf32>
    %sub3A_89 = arith.subf %sub3A_88, %dot_general3A_84 : vector<512x1024xf32>
    %argmin3A_90 = tpu.reduce_index %sub3A_89 {axis = 1 : i32, kind = #tpu.reduction_kind<arg_min>} : vector<512x1024xf32> -> vector<512xi32>
    %broadcast_in_dim3A_91 = vector.shape_cast %argmin3A_90 : vector<512xi32> to vector<512x1xi32>
    %eq3A_92 = arith.constant 3 : i32
    %eq3A_93 = vector.broadcast %eq3A_92 : i32 to vector<512x8xi32>
    %eq3A_94 = arith.cmpi eq, %iota3A, %eq3A_93 : vector<512x8xi32>
    %broadcast_in_dim3A_95 = vector.shape_cast %broadcast_in_dim3A_91 : vector<512x1xi32> to vector<512x1xi32>
    %broadcast_in_dim3A_96 = vector.broadcast %broadcast_in_dim3A_95 : vector<512x1xi32> to vector<512x8xi32>
    %select_n3A_97 = arith.select %eq3A_94, %broadcast_in_dim3A_96, %select_n3A_72 : vector<512x8xi1>, vector<512x8xi32>
    %get3A_98 = arith.constant 0 : index
    %get3A_99 = arith.constant 4 : index
    %get3A_100 = arith.constant 0 : index
    %get3A_101 = vector.load %arg1[%get3A_98, %get3A_99, %get3A_100] : memref<512x8x256xf32, #tpu.memory_space<vmem>>, vector<512x1x256xf32>
    %get3A_102 = vector.shape_cast %get3A_101 : vector<512x1x256xf32> to vector<512x256xf32>
    %get3A_103 = arith.constant 4 : index
    %get3A_104 = arith.constant 0 : index
    %get3A_105 = arith.constant 0 : index
    %get3A_106 = vector.load %arg2[%get3A_103, %get3A_104, %get3A_105] : memref<8x1024x256xf32, #tpu.memory_space<vmem>>, vector<1x1024x256xf32>
    %get3A_107 = vector.shape_cast %get3A_106 : vector<1x1024x256xf32> to vector<1024x256xf32>
    %dot_general3A_108 = arith.constant dense<0.000000e+00> : vector<512x1024xf32>
    %dot_general3A_109 = tpu.matmul %get3A_102, %get3A_107, %dot_general3A_108 {dimension_numbers = #tpu.dot_dimension_numbers<[1], [1], [0], [0], [0, 0, 1, 0], [], []>, transpose_lhs_hint = false} : vector<512x256xf32>, vector<1024x256xf32>, vector<512x1024xf32> -> vector<512x1024xf32>
    %get3A_110 = arith.constant 4 : index
    %get3A_111 = arith.constant 0 : index
    %get3A_112 = vector.load %arg5[%get3A_110, %get3A_111] : memref<8x1024xf32, #tpu.memory_space<vmem>>, vector<1x1024xf32>
    %sub3A_113 = vector.broadcast %get3A_112 : vector<1x1024xf32> to vector<512x1024xf32>
    %sub3A_114 = arith.subf %sub3A_113, %dot_general3A_109 : vector<512x1024xf32>
    %argmin3A_115 = tpu.reduce_index %sub3A_114 {axis = 1 : i32, kind = #tpu.reduction_kind<arg_min>} : vector<512x1024xf32> -> vector<512xi32>
    %broadcast_in_dim3A_116 = vector.shape_cast %argmin3A_115 : vector<512xi32> to vector<512x1xi32>
    %eq3A_117 = arith.constant 4 : i32
    %eq3A_118 = vector.broadcast %eq3A_117 : i32 to vector<512x8xi32>
    %eq3A_119 = arith.cmpi eq, %iota3A, %eq3A_118 : vector<512x8xi32>
    %broadcast_in_dim3A_120 = vector.shape_cast %broadcast_in_dim3A_116 : vector<512x1xi32> to vector<512x1xi32>
    %broadcast_in_dim3A_121 = vector.broadcast %broadcast_in_dim3A_120 : vector<512x1xi32> to vector<512x8xi32>
    %select_n3A_122 = arith.select %eq3A_119, %broadcast_in_dim3A_121, %select_n3A_97 : vector<512x8xi1>, vector<512x8xi32>
    %get3A_123 = arith.constant 0 : index
    %get3A_124 = arith.constant 5 : index
    %get3A_125 = arith.constant 0 : index
    %get3A_126 = vector.load %arg1[%get3A_123, %get3A_124, %get3A_125] : memref<512x8x256xf32, #tpu.memory_space<vmem>>, vector<512x1x256xf32>
    %get3A_127 = vector.shape_cast %get3A_126 : vector<512x1x256xf32> to vector<512x256xf32>
    %get3A_128 = arith.constant 5 : index
    %get3A_129 = arith.constant 0 : index
    %get3A_130 = arith.constant 0 : index
    %get3A_131 = vector.load %arg2[%get3A_128, %get3A_129, %get3A_130] : memref<8x1024x256xf32, #tpu.memory_space<vmem>>, vector<1x1024x256xf32>
    %get3A_132 = vector.shape_cast %get3A_131 : vector<1x1024x256xf32> to vector<1024x256xf32>
    %dot_general3A_133 = arith.constant dense<0.000000e+00> : vector<512x1024xf32>
    %dot_general3A_134 = tpu.matmul %get3A_127, %get3A_132, %dot_general3A_133 {dimension_numbers = #tpu.dot_dimension_numbers<[1], [1], [0], [0], [0, 0, 1, 0], [], []>, transpose_lhs_hint = false} : vector<512x256xf32>, vector<1024x256xf32>, vector<512x1024xf32> -> vector<512x1024xf32>
    %get3A_135 = arith.constant 5 : index
    %get3A_136 = arith.constant 0 : index
    %get3A_137 = vector.load %arg5[%get3A_135, %get3A_136] : memref<8x1024xf32, #tpu.memory_space<vmem>>, vector<1x1024xf32>
    %sub3A_138 = vector.broadcast %get3A_137 : vector<1x1024xf32> to vector<512x1024xf32>
    %sub3A_139 = arith.subf %sub3A_138, %dot_general3A_134 : vector<512x1024xf32>
    %argmin3A_140 = tpu.reduce_index %sub3A_139 {axis = 1 : i32, kind = #tpu.reduction_kind<arg_min>} : vector<512x1024xf32> -> vector<512xi32>
    %broadcast_in_dim3A_141 = vector.shape_cast %argmin3A_140 : vector<512xi32> to vector<512x1xi32>
    %eq3A_142 = arith.constant 5 : i32
    %eq3A_143 = vector.broadcast %eq3A_142 : i32 to vector<512x8xi32>
    %eq3A_144 = arith.cmpi eq, %iota3A, %eq3A_143 : vector<512x8xi32>
    %broadcast_in_dim3A_145 = vector.shape_cast %broadcast_in_dim3A_141 : vector<512x1xi32> to vector<512x1xi32>
    %broadcast_in_dim3A_146 = vector.broadcast %broadcast_in_dim3A_145 : vector<512x1xi32> to vector<512x8xi32>
    %select_n3A_147 = arith.select %eq3A_144, %broadcast_in_dim3A_146, %select_n3A_122 : vector<512x8xi1>, vector<512x8xi32>
    %get3A_148 = arith.constant 0 : index
    %get3A_149 = arith.constant 6 : index
    %get3A_150 = arith.constant 0 : index
    %get3A_151 = vector.load %arg1[%get3A_148, %get3A_149, %get3A_150] : memref<512x8x256xf32, #tpu.memory_space<vmem>>, vector<512x1x256xf32>
    %get3A_152 = vector.shape_cast %get3A_151 : vector<512x1x256xf32> to vector<512x256xf32>
    %get3A_153 = arith.constant 6 : index
    %get3A_154 = arith.constant 0 : index
    %get3A_155 = arith.constant 0 : index
    %get3A_156 = vector.load %arg2[%get3A_153, %get3A_154, %get3A_155] : memref<8x1024x256xf32, #tpu.memory_space<vmem>>, vector<1x1024x256xf32>
    %get3A_157 = vector.shape_cast %get3A_156 : vector<1x1024x256xf32> to vector<1024x256xf32>
    %dot_general3A_158 = arith.constant dense<0.000000e+00> : vector<512x1024xf32>
    %dot_general3A_159 = tpu.matmul %get3A_152, %get3A_157, %dot_general3A_158 {dimension_numbers = #tpu.dot_dimension_numbers<[1], [1], [0], [0], [0, 0, 1, 0], [], []>, transpose_lhs_hint = false} : vector<512x256xf32>, vector<1024x256xf32>, vector<512x1024xf32> -> vector<512x1024xf32>
    %get3A_160 = arith.constant 6 : index
    %get3A_161 = arith.constant 0 : index
    %get3A_162 = vector.load %arg5[%get3A_160, %get3A_161] : memref<8x1024xf32, #tpu.memory_space<vmem>>, vector<1x1024xf32>
    %sub3A_163 = vector.broadcast %get3A_162 : vector<1x1024xf32> to vector<512x1024xf32>
    %sub3A_164 = arith.subf %sub3A_163, %dot_general3A_159 : vector<512x1024xf32>
    %argmin3A_165 = tpu.reduce_index %sub3A_164 {axis = 1 : i32, kind = #tpu.reduction_kind<arg_min>} : vector<512x1024xf32> -> vector<512xi32>
    %broadcast_in_dim3A_166 = vector.shape_cast %argmin3A_165 : vector<512xi32> to vector<512x1xi32>
    %eq3A_167 = arith.constant 6 : i32
    %eq3A_168 = vector.broadcast %eq3A_167 : i32 to vector<512x8xi32>
    %eq3A_169 = arith.cmpi eq, %iota3A, %eq3A_168 : vector<512x8xi32>
    %broadcast_in_dim3A_170 = vector.shape_cast %broadcast_in_dim3A_166 : vector<512x1xi32> to vector<512x1xi32>
    %broadcast_in_dim3A_171 = vector.broadcast %broadcast_in_dim3A_170 : vector<512x1xi32> to vector<512x8xi32>
    %select_n3A_172 = arith.select %eq3A_169, %broadcast_in_dim3A_171, %select_n3A_147 : vector<512x8xi1>, vector<512x8xi32>
    %get3A_173 = arith.constant 0 : index
    %get3A_174 = arith.constant 7 : index
    %get3A_175 = arith.constant 0 : index
    %get3A_176 = vector.load %arg1[%get3A_173, %get3A_174, %get3A_175] : memref<512x8x256xf32, #tpu.memory_space<vmem>>, vector<512x1x256xf32>
    %get3A_177 = vector.shape_cast %get3A_176 : vector<512x1x256xf32> to vector<512x256xf32>
    %get3A_178 = arith.constant 7 : index
    %get3A_179 = arith.constant 0 : index
    %get3A_180 = arith.constant 0 : index
    %get3A_181 = vector.load %arg2[%get3A_178, %get3A_179, %get3A_180] : memref<8x1024x256xf32, #tpu.memory_space<vmem>>, vector<1x1024x256xf32>
    %get3A_182 = vector.shape_cast %get3A_181 : vector<1x1024x256xf32> to vector<1024x256xf32>
    %dot_general3A_183 = arith.constant dense<0.000000e+00> : vector<512x1024xf32>
    %dot_general3A_184 = tpu.matmul %get3A_177, %get3A_182, %dot_general3A_183 {dimension_numbers = #tpu.dot_dimension_numbers<[1], [1], [0], [0], [0, 0, 1, 0], [], []>, transpose_lhs_hint = false} : vector<512x256xf32>, vector<1024x256xf32>, vector<512x1024xf32> -> vector<512x1024xf32>
    %get3A_185 = arith.constant 7 : index
    %get3A_186 = arith.constant 0 : index
    %get3A_187 = vector.load %arg5[%get3A_185, %get3A_186] : memref<8x1024xf32, #tpu.memory_space<vmem>>, vector<1x1024xf32>
    %sub3A_188 = vector.broadcast %get3A_187 : vector<1x1024xf32> to vector<512x1024xf32>
    %sub3A_189 = arith.subf %sub3A_188, %dot_general3A_184 : vector<512x1024xf32>
    %argmin3A_190 = tpu.reduce_index %sub3A_189 {axis = 1 : i32, kind = #tpu.reduction_kind<arg_min>} : vector<512x1024xf32> -> vector<512xi32>
    %broadcast_in_dim3A_191 = vector.shape_cast %argmin3A_190 : vector<512xi32> to vector<512x1xi32>
    %eq3A_192 = arith.constant 7 : i32
    %eq3A_193 = vector.broadcast %eq3A_192 : i32 to vector<512x8xi32>
    %eq3A_194 = arith.cmpi eq, %iota3A, %eq3A_193 : vector<512x8xi32>
    %broadcast_in_dim3A_195 = vector.shape_cast %broadcast_in_dim3A_191 : vector<512x1xi32> to vector<512x1xi32>
    %broadcast_in_dim3A_196 = vector.broadcast %broadcast_in_dim3A_195 : vector<512x1xi32> to vector<512x8xi32>
    %select_n3A_197 = arith.select %eq3A_194, %broadcast_in_dim3A_196, %select_n3A_172 : vector<512x8xi1>, vector<512x8xi32>
    %swap3A = arith.constant 0 : index
    %swap3A_198 = arith.constant 0 : index
    %swap3A_199 = vector.load %arg3[%swap3A, %swap3A_198] : memref<512x8xi32, #tpu.memory_space<vmem>>, vector<512x8xi32>
    tpu.vector_store %arg3[%swap3A, %swap3A_198], %select_n3A_197 {strides = array<i32>} : memref<512x8xi32, #tpu.memory_space<vmem>>, vector<512x8xi32>,
    %mul3A = arith.constant 1024 : i32
    %mul3A_200 = vector.broadcast %mul3A : i32 to vector<512x8xi32>
    %mul3A_201 = arith.muli %iota3A, %mul3A_200 : vector<512x8xi32>
    %add3A = arith.addi %select_n3A_197, %mul3A_201 : vector<512x8xi32>
    %swap3A_202 = arith.constant 0 : index
    %swap3A_203 = arith.constant 0 : index
    %swap3A_204 = vector.load %arg4[%swap3A_202, %swap3A_203] : memref<512x8xi32, #tpu.memory_space<vmem>>, vector<512x8xi32>
    tpu.vector_store %arg4[%swap3A_202, %swap3A_203], %add3A {strides = array<i32>} : memref<512x8xi32, #tpu.memory_space<vmem>>, vector<512x8xi32>,
    return
  }
  func.func @transform_0(%arg0: i32) -> (i32, i32, i32) {
    %add3A = arith.constant 0 : i32
    %add3A_0 = arith.addi %add3A, %arg0 : i32
    %c0_i32 = arith.constant 0 : i32
    %c0_i32_1 = arith.constant 0 : i32
    %c0_i32_2 = arith.constant 0 : i32
    return %add3A_0, %c0_i32, %c0_i32_1 : i32, i32, i32
  }
  func.func @transform_1(%arg0: i32) -> (i32, i32, i32) {
    %c0_i32 = arith.constant 0 : i32
    %c0_i32_0 = arith.constant 0 : i32
    %c0_i32_1 = arith.constant 0 : i32
    %c0_i32_2 = arith.constant 0 : i32
    return %c0_i32, %c0_i32_0, %c0_i32_1 : i32, i32, i32
  }
  func.func @transform_2(%arg0: i32) -> (i32, i32) {
    %c0_i32 = arith.constant 0 : i32
    %c0_i32_0 = arith.constant 0 : i32
    return %arg0, %c0_i32 : i32, i32
  }
  func.func @transform_3(%arg0: i32) -> (i32, i32) {
    %c0_i32 = arith.constant 0 : i32
    %c0_i32_0 = arith.constant 0 : i32
    return %arg0, %c0_i32 : i32, i32
  }
}

</mosaic_0001>

<sc_bundles>
// kernel: kernel.4.cloned.1.call-start
scs
__scs_entry_jumppad:
0x0: {  	(pc) =	sbr.rel $0x88, $3  }
0x1: {  	(tag) =	ssettag $0x0;
	lr =	simm.s32 $0x1  }
0x2: {  	[smem:$0x3F9F] =	sst lr;
	_ =	strace $0xD0000000  }
0x3: {  	_ = 	snop  }
0x4: {  	_ = 	snop  }
0x5: {  	_ = 	snop  }
0x6: {  	_ = 	snop  }
0x7: {  	_ = 	snop  }
__scs_overlays_trampoline_lowered:
0x8: {  	[smem:$0x3FAE] =	sst s0  }
0x9: {  	[smem:$0x3FAF] =	sst s1  }
0xa: {  	[smem:$0x3FB0] =	sst s2  }
0xb: {  	[smem:$0x3FB1] =	sst s3  }
0xc: {  	[smem:$0x3FB2] =	sst s4  }
0xd: {  	[smem:$0x3FB3] =	sst s5  }
0xe: {  	[smem:$0x3FB4] =	sst s6  }
0xf: {  	[smem:$0x3FB5] =	sst s7  }
0x10: {  	[smem:$0x3FB6] =	sst s8  }
0x11: {  	[smem:$0x3FB7] =	sst s9;
	s0 =	simm.s32 @!p0 $0x0  }
0x12: {  	s1 =	sld [smem:$0x3F9D];
	s0 =	simm.s32 @p0 $0x1  }
0x13: {  	[smem:$0x3FB8] =	sst s0;
	s0 =	simm.s32 @!p1 $0x0  }
0x14: {  	s2 =	sld [smem:$0x3F9C];
	s0 =	simm.s32 @p1 $0x1  }
0x15: {  	[smem:$0x3FB9] =	sst s0;
	s0 =	simm.s32 @!p2 $0x0  }
0x16: {  	s3 =	sld [smem:$0x3FDB];
	s0 =	simm.s32 @p2 $0x1  }
0x17: {  	s4 =	simm.s32 $0x1BF5;
	[smem:$0x3FBB] =	sst s0  }
0x18: {  	s0 =	sld [smem:$0x3F9E];
	_ =	swait.ge [sflag:s4], $0x0  }
0x19: {  	s7 =	sld [smem:$0x3F9F]  }
0x1a: {  	s8 =	sadd.s32 $0xFFFFE003, lr  }
0x1b: {  	s9 =	sadd.s32 $0xFFFFFEF7, lr;
	s5 =	simm.s32 $0xFFFFFFFF;
	p2 =	slt.u32 s8, $0xFFFFF086  }
0x1c: {  	p1 =	slt.u32 s9, $0xF7A;
	s5 =	simm.s32 @!p2 $0x0  }
0x1d: {  	s5 =	simm.s32 @p1 $0x1;
	p0 =	seq.s32 s7, s2  }
0x1e: {  	s7 =	smul.u32 @!p0 $0xF7A, s2;
	p2 =	seq.s32 @!p0 s5, $0x0  }
0x1f: {  	s9 =	smul.u32 $0xF7A, s1;
	s8 =	simm.s32 @!p0 $0x1BF5;
	p2 =	por !p2, p0  }
0x20: {  	[sflag:s8] =	ssyncset.s32 @!p0 $0xFFFFF086;
	s6 =	sadd.s32 @!p0 s3, s7;
	s7 =	simm.s32 @!p0 $0x108  }
0x21: {  	s3 =	sadd.s32 s3, s9;
	s6 =	sadd.s32 @!p0 $0x88, s6;
	s7 =	simm.s32 @p2 $0x1082  }
0x22: {  	[simem:s7], [sflag:s8] =	dma.local @!p0 [hbm:s6], $0xF7A  }
0x23: {  	s9 =	sor.u32 $0xD0000000, s2;
	s6 =	simm.s32 $0x108;
	_ =	swait.ge @!p0 [sflag:s8], $0x0  }
0x24: {  	s3 =	sadd.s32 $0x88, s3;
	s6 =	simm.s32 @!p1 $0x1082;
	[sflag:s4] =	ssyncset.s32 $0xFFFFF086  }
0x25: {  	[simem:s6], [sflag:s4] =	dma.local [hbm:s3], $0xF7A  }
0x26: {  	[smem:$0x3F9F] =	sst s1;
	(tag) =	ssettag s2;
	_ =	strace s9  }
0x27: {  	s1 =	sld [smem:$0x3FAF]  }
0x28: {  	s2 =	sld [smem:$0x3FB0]  }
0x29: {  	s4 =	sld [smem:$0x3FB2]  }
0x2a: {  	p0 =	seq.s32 s5, $0x0;
	s5 =	sld [smem:$0x3FB3]  }
0x2b: {  	s6 =	sld [smem:$0x3FB4]  }
0x2c: {  	s7 =	sld [smem:$0x3FB5]  }
0x2d: {  	s3 =	simm.s32 $0x108;
	s8 =	sld [smem:$0x3FB6]  }
0x2e: {  	s3 =	simm.s32 @!p0 $0x1082;
	s9 =	sld [smem:$0x3FB7]  }
0x2f: {  	lr =	sadd.s32 s0, s3;
	s0 =	sld [smem:$0x3FAE]  }
0x30: {  	s3 =	sld [smem:$0x3FB1]  }
0x31: {  	[smem:$0x3FBA] =	sst s10  }
0x32: {  	s10 =	sld [smem:$0x3FB8];
	_ =	sdelay $0x3  }
0x33: {  	p0 =	seq.s32 s10, $0x1;
	s10 =	sld [smem:$0x3FBA];
	_ =	sdelay $0x3  }
0x34: {  	[smem:$0x3FBA] =	sst s10  }
0x35: {  	s10 =	sld [smem:$0x3FB9];
	_ =	sdelay $0x3  }
0x36: {  	p1 =	seq.s32 s10, $0x1;
	s10 =	sld [smem:$0x3FBA];
	_ =	sdelay $0x3  }
0x37: {  	[smem:$0x3FBA] =	sst s10  }
0x38: {  	s10 =	sld [smem:$0x3FBB]  }
0x39: {  	_ = 	snop;
	(pc) =	sbr.ind lr, $3  }
0x3a: {  	_ = 	snop  }
0x3b: {  	_ = 	snop  }
0x3c: {  	p2 =	seq.s32 s10, $0x1;
	s10 =	sld [smem:$0x3FBA]  }
0x3d: {  	_ =	shalt  }
0x3e: {  	_ =	shalt  }
0x3f: {  	_ =	shalt  }
0x40: {  	_ =	shalt  }
0x41: {  	_ =	shalt  }
0x42: {  	_ =	shalt  }
0x43: {  	_ =	shalt  }
0x44: {  	_ =	shalt  }
0x45: {  	_ =	shalt  }
0x46: {  	_ =	shalt  }
0x47: {  	_ =	shalt  }
0x48: {  	_ =	shalt  }
0x49: {  	_ =	shalt  }
0x4a: {  	_ =	shalt  }
0x4b: {  	_ =	shalt  }
0x4c: {  	_ =	shalt  }
0x4d: {  	_ =	shalt  }
0x4e: {  	_ =	shalt  }
0x4f: {  	_ =	shalt  }
0x50: {  	_ =	shalt  }
0x51: {  	_ =	shalt  }
0x52: {  	_ =	shalt  }
0x53: {  	_ =	shalt  }
0x54: {  	_ =	shalt  }
0x55: {  	_ =	shalt  }
0x56: {  	_ =	shalt  }
0x57: {  	_ =	shalt  }
0x58: {  	_ =	shalt  }
0x59: {  	_ =	shalt  }
0x5a: {  	_ =	shalt  }
0x5b: {  	_ =	shalt  }
0x5c: {  	_ =	shalt  }
0x5d: {  	_ =	shalt  }
0x5e: {  	_ =	shalt  }
0x5f: {  	_ =	shalt  }
0x60: {  	_ =	shalt  }
0x61: {  	_ =	shalt  }
0x62: {  	_ =	shalt  }
0x63: {  	_ =	shalt  }
0x64: {  	_ =	shalt  }
0x65: {  	_ =	shalt  }
0x66: {  	_ =	shalt  }
0x67: {  	_ =	shalt  }
0x68: {  	_ =	shalt  }
0x69: {  	_ =	shalt  }
0x6a: {  	_ =	shalt  }
0x6b: {  	_ =	shalt  }
0x6c: {  	_ =	shalt  }
0x6d: {  	_ =	shalt  }
0x6e: {  	_ =	shalt  }
0x6f: {  	_ =	shalt  }
0x70: {  	_ =	shalt  }
0x71: {  	_ =	shalt  }
0x72: {  	_ =	shalt  }
0x73: {  	_ =	shalt  }
0x74: {  	_ =	shalt  }
0x75: {  	_ =	shalt  }
0x76: {  	_ =	shalt  }
0x77: {  	_ =	shalt  }
0x78: {  	_ =	shalt  }
0x79: {  	_ =	shalt  }
0x7a: {  	_ =	shalt  }
0x7b: {  	_ =	shalt  }
0x7c: {  	_ =	shalt  }
0x7d: {  	_ =	shalt  }
0x7e: {  	_ =	shalt  }
0x7f: {  	_ =	shalt  }
0x80: {  	_ =	shalt  }
0x81: {  	_ =	shalt  }
0x82: {  	_ =	shalt  }
0x83: {  	_ =	shalt  }
0x84: {  	_ =	shalt  }
0x85: {  	_ =	shalt  }
0x86: {  	_ =	shalt  }
0x87: {  	_ =	shalt  }
.Lfunc_end0:
.L_simem_size_0:
called_computation_lowered:
.L_overlay_start_0:
0x88: {  	s2 =	sld [smem:$0x3FD9]  }
0x89: {  	s3 =	sld [smem:$0x3FFE];
	_ =	sdelay $0x1  }
0x8a: {  	s1 =	srdreg.scid  }
0x8b: {  	s0 =	sand.u32 $0x1, s1  }
0x8c: {  	s14 =	sshll.u32 s0, $0xA;
	s2 =	sadd.s32 s3, s2  }
0x8d: {  	s2 =	sadd.s32 s2, s14  }
0x8e: {  	[smem:$0x3FC6] =	sst s2  }
0x8f: {  	_ = 	snop  }
0x90: {  	s2 =	sld [smem:$0x3FD0];
	_ =	sdelay $0x2  }
0x91: {  	s4 =	simm.s32 $0xA;
	s5 =	simm.s32 $0x10;
	s15 =	sld [smem:$0x3FC8]  }
0x92: {  	[smem:s5], [sflag:s4] =	dma.local [hbm:s2], $0x1  }
0x93: {  	_ =	swait.eq [sflag:s4], $0x1  }
0x94: {  	[sflag:s4] =	ssyncset.done $0x0  }
0x95: {  	[sflag:s4] =	ssyncadd.s32 $0xFFFFFFFF  }
0x96: {  	s16 =	sld [smem:$0x10];
	(tm) =	ssettm $0x1  }
0x97: {  	s17 =	sld [smem:$0x3FFB];
	_ =	sdelay $0x3  }
0x98: {  	_ =	strace s17  }
0x99: {  	s4 =	sld [smem:$0x3FFC];
	_ =	sdelay $0x3  }
0x9a: {  	_ =	strace s4  }
0x9b: {  	s4 =	sld [smem:$0x3FFD];
	_ =	sdelay $0x3  }
0x9c: {  	_ =	strace s4  }
0x9d: {  	_ =	strace $0x8FFFFFFF  }
0x9e: {  	s18 =	sld [smem:$0x3FDB];
	_ =	sdelay $0x1  }
0x9f: {  	s19 =	simm.s32 $_scs_section_size  }
0xa0: {  	s6 =	simm.s32 $_size__tile_overlayer_lowered;
	s7 =	simm.s32 $_tile_overlayer_lowered  }
0xa1: {  	s22 =	simm.s32 $0x1BFF;
	s21 =	sshll.u32 s7, $0x1;
	s4 =	sadd.s32 s19, s18  }
0xa2: {  	s8 =	simm.s32 $0x0;
	s20 =	sshll.u32 s6, $0x1;
	s6 =	sadd.s32 s21, s4  }
0xa3: {  	[timem:s8], [sflag:s22] =	dma.local [hbm:s6], s20  }
0xa4: {  	_ =	swait.ge [sflag:s22], s20  }
0xa5: {  	s5 =	ssub.s32 $0x0, s20;
	[sflag:s22] =	ssyncset.done $0x0  }
0xa6: {  	[sflag:s22] =	ssyncadd.s32 s5;
	_ =	sdelay $0x1  }
0xa7: {  	s23 =	simm.s32 $0x1B8B  }
0xa8: {  	_ =	swait.ge [sflag:s23], $0x1  }
0xa9: {  	[sflag:s23] =	ssyncset.done $0x0  }
0xaa: {  	s25 =	simm.s32 $0x1B8E;
	s24 =	sld [smem:$0x3FFE];
	[sflag:s23] =	ssyncadd.s32 $0xFFFFFFFF  }
0xab: {  	s26 =	simm.s32 $execute0_lowered;
	[smem:$0x3FD2] =	sst s25  }
0xac: {  	s6 =	sshll.u32 s26, $0x1;
	_ =	strace $0x80000046;
	[dreg:$0x1] =	wrdreg $0xFFFFFFFF  }
0xad: {  	s28 =	simm.s32 $_size_execute0_lowered;
	s4 =	sadd.s32 s4, s6;
	[dreg:$0x0] =	wrdreg $0x0  }
0xae: {  	s6 =	sshll.u32 s28, $0x1;
	[dreg:$0x2] =	wrdreg s4  }
0xaf: {  	[dreg:$0x3] =	wrdreg s6  }
0xb0: {  	[dreg:$0x4] =	wrdreg $0xC0  }
0xb1: {  	_ =	task [dreg:s8], $0x5FFFF  }
0xb2: {  	[dreg:$0x1] =	wrdreg $0xFFFFFFFF  }
0xb3: {  	[dreg:$0x0] =	wrdreg $0x60  }
0xb4: {  	[dreg:$0x2] =	wrdreg s15  }
0xb5: {  	[dreg:$0x3] =	wrdreg s24  }
0xb6: {  	[dreg:$0x4] =	wrdreg s16  }
0xb7: {  	[dreg:$0x5] =	wrdreg $0x9  }
0xb8: {  	_ =	task.clear_ibuf [dreg:s8], $0x6FFFF;
	_ =	strace $0x90000046  }
0xb9: {  	s29 =	simm.s32 $0x9;
	_ =	strace $0x80000048  }
0xba: {  	_ =	swait.ge [sflag:s29], $0x1  }
0xbb: {  	[sflag:s29] =	ssyncadd.s32 $0xFFFFFFFF  }
0xbc: {  	_ =	strace $0x90000048  }
0xbd: {  	_ =	sfence  }
0xbe: {  	s30 =	sld [smem:$0x0];
	_ =	sdelay $0x2  }
0xbf: {  	s31 =	sshll.u32 s1, $0xD;
	s1 =	sshrl.u32 s1, $0x2  }
0xc0: {  	s3 =	sand.u32 $0x4000, s31;
	s1 =	sadd.s32 s1, s30  }
0xc1: {  	s0 =	sor.u32 s3, s0;
	s1 =	sshll.u32 s1, $0x11  }
0xc2: {  	s0 =	sor.u32 s1, s0  }
0xc3: {  	s0 =	sadd.s32 $0x8F2B, s0  }
0xc4: {  	[sflag:s0] =	ssyncadd.remote.s32 $0x1  }
0xc5: {  	_ =	sfence.sel $0xFFFF  }
0xc6: {  	[dreg:$0x0] =	wrdreg $0xFFFFFFFF;
	(pc) =	sbr.abs _section_cstart, $3  }
0xc7: {  	[dreg:$0x1] =	wrdreg $0xFFFFFFFF  }
0xc8: {  	_ =	task.clear_ibuf [dreg:s8], $0x2FFFF;
	_ =	strace $0x9FFFFFFF  }
0xc9: {  	(tm) =	ssettm $0x7FFFFFFF  }
tec
execute0_lowered:
.L_overlay_start_1:
0x0: {  	(tag) =	ssettag $0x1  }
0x1: {  	s0 =	srdreg.scid  }
0x2: {  	s1 =	rddreg [dreg:$0x0];
	s3 =	stileid.u32;
	s0 =	sand.u32 $0x1, s0  }
0x3: {  	s2 =	rddreg [dreg:$0x1];
	s3 =	sshll.u32 s3, $0xB;
	s4 =	sshll.u32 s0, $0xA  }
0x4: {  	s5 =	rddreg [dreg:$0x2];
	s4 =	sor.u32 s4, s3  }
0x5: {  	s3 =	simm.s32 $0x0;
	s6 =	sshrl.u32 s4, $0x3;
	s4 =	sshll.u32 s4, $0x5  }
0x6: {  	[smem:$0x7FF] =	sst s3;
	s2 =	sadd.s32 s6, s2;
	s5 =	sadd.s32 s5, s4  }
0x7: {  	_ =	strace $0x80000047;
	s2 =	sadd.s32 $0x800, s2;
	[dreg:$0x14] =	wrdreg s5  }
0x8: {  	s12 =	sadd.s32 $0x800, s5;
	[dreg:$0x4] =	wrdreg s2  }
0x9: {  	s13 =	sadd.s32 $0x1000, s5;
	[dreg:$0x5] =	wrdreg s12  }
0xa: {  	s14 =	sadd.s32 $0x1800, s5;
	[dreg:$0x6] =	wrdreg s13  }
0xb: {  	s15 =	sadd.s32 $0x2000, s5;
	[dreg:$0x7] =	wrdreg s14  }
0xc: {  	s7 =	simm.s32 $0x10400;
	s16 =	sadd.s32 $0x2800, s5;
	[dreg:$0x8] =	wrdreg s15  }
0xd: {  	s9 =	simm.s32 $0x14400;
	s17 =	sadd.s32 $0x3000, s5;
	[dreg:$0x9] =	wrdreg s16  }
0xe: {  	s30 =	simm.s32 $0x15400;
	s18 =	sadd.s32 $0x3800, s5;
	[dreg:$0xa] =	wrdreg s17  }
0xf: {  	s31 =	simm.s32 $0x15C00;
	s19 =	sadd.s32 $0x4000, s5;
	[dreg:$0xb] =	wrdreg s18  }
0x10: {  	s28 =	simm.s32 $0x17400;
	s20 =	sadd.s32 $0x4800, s5;
	[dreg:$0xc] =	wrdreg s19  }
0x11: {  	s0 =	ssub.s32 $0x2, s0;
	s21 =	sadd.s32 $0x5000, s5;
	[dreg:$0xd] =	wrdreg s20  }
0x12: {  	s25 =	sshrl.u32 s0, $0x1;
	s22 =	sadd.s32 $0x5800, s5;
	[dreg:$0xe] =	wrdreg s21  }
0x13: {  	s0 =	ssub.s32 s0, s25;
	s23 =	sadd.s32 $0x6000, s5;
	[dreg:$0xf] =	wrdreg s22  }
0x14: {  	s25 =	simm.s32 $0xA;
	s24 =	sadd.s32 $0x6800, s5;
	[dreg:$0x10] =	wrdreg s23  }
0x15: {  	s6 =	simm.s32 $0x8400;
	s26 =	sadd.s32 $0x7000, s5;
	[dreg:$0x11] =	wrdreg s24  }
0x16: {  	s29 =	sadd.s32 $0x7800, s5;
	s5 =	smax.u32 s0, $0x1;
	[dreg:$0x12] =	wrdreg s26  }
0x17: {  	[dreg:$0x13] =	wrdreg s29;
	s26 =	simm.s32 $0x1;
	s14 =	simm.s32 $0x2  }
0x18: {  	s17 =	simm.s32 $0x3;
	s18 =	simm.s32 $0x7;
	s19 =	simm.s32 $0x4  }
0x19: {  	v2 =	vlaneseq.u32;
	s20 =	simm.s32 $0x8;
	s22 =	simm.s32 $0x9;
	s23 =	simm.s32 $0x4400  }
0x1a: {  	vm0 =	vmmov $0xffff;
	v1 =	vshrl.u32 v2, $0x3;
	s21 =	simm.s32 $0xC400;
	s24 =	simm.s32 $0x10C00;
	s13 =	simm.s32 $0x11C00  }
0x1b: {  	v0 =	vand.u32 $0x7, v2;
	v2 =	vor.u32 $0x8, v2;
	v1 =	vmul.u32 $0x8, v1;
	s16 =	simm.s32 $0x12400;
	s15 =	simm.s32 $0x13400;
	s12 =	simm.s32 $0x400  }
.LBB2_1:
0x1c: {  	s29 =	rddreg [dreg:$0x4];
	s11 =	simm.s32 $0xD  }
0x1d: {  	[tilespmem:s3], [sflag:$0xD] =	stream.linear.gather [hbm4b:s29+s3], $0x400, $0x38;
	[tilespmem:$0x18400] =	vst v63  }
0x1e: {  	_ =	swait.ge [sflag:s11], $0x400  }
0x1f: {  	[sflag:s11] =	ssyncset.done $0x0  }
0x20: {  	[sflag:s11] =	ssyncadd.s32 $0xFFFFFC00  }
0x21: {  	v3 =	vld [tilespmem:$0x0];
	_ =	sdelay $0x4  }
0x22: {  	v4 =	vshll.u32 v3, $0x1  }
0x23: {  	v3 =	vand.u32 $0x7, v3;
	v4 =	vand.u32 $0xFFFFFFF0, v4  }
0x24: {  	v3 =	vor.u32 v3, v4  }
0x25: {  	v4 =	vperm.xlane v3, v0;
	_ =	sdelay $0x1  }
0x26: {  	v3 =	vperm.xlane v3, v2;
	v4 =	vadd.s32 v1, v4;
	_ =	sdelay $0x1  }
0x27: {  	v3 =	vadd.s32 v1, v3;
	_ =	sdelay $0x1  }
0x28: {  	s0 =	simm.s32 $0x400  }
0x29: {  	[tilespmem:s0], [sflag:$0x1] =	stream.indirect_vreg.gather [hbm4b:s1+s3], $0x80, v4, vm0, $0xb8;
	[tilespmem:$0x18400] =	vst v63  }
0x2a: {  	s2 =	simm.s32 $0xC00  }
0x2b: {  	[tilespmem:s2], [sflag:$0x1] =	stream.indirect_vreg.gather [hbm4b:s1+s3], $0x80, v3, vm0, $0xb8;
	[tilespmem:$0x18400] =	vst v63  }
0x2c: {  	v3 =	vld [tilespmem:$0x10];
	_ =	sdelay $0x4  }
0x2d: {  	v57 =	vshll.u32 v3, $0x1  }
0x2e: {  	v3 =	vand.u32 $0x7, v3;
	v4 =	vand.u32 $0xFFFFFFF0, v57  }
0x2f: {  	v3 =	vor.u32 v3, v4  }
0x30: {  	v4 =	vperm.xlane v3, v0;
	_ =	sdelay $0x1  }
0x31: {  	v3 =	vperm.xlane v3, v2;
	v4 =	vadd.s32 v1, v4;
	_ =	sdelay $0x1  }
0x32: {  	v3 =	vadd.s32 v1, v3;
	_ =	sdelay $0x1  }
0x33: {  	s29 =	simm.s32 $0x1400  }
0x34: {  	[tilespmem:s29], [sflag:$0x1] =	stream.indirect_vreg.gather [hbm4b:s1+s3], $0x80, v4, vm0, $0xb8;
	[tilespmem:$0x18400] =	vst v63  }
0x35: {  	s8 =	simm.s32 $0x1C00  }
0x36: {  	[tilespmem:s8], [sflag:$0x1] =	stream.indirect_vreg.gather [hbm4b:s1+s3], $0x80, v3, vm0, $0xb8;
	[tilespmem:$0x18400] =	vst v63  }
0x37: {  	v3 =	vld [tilespmem:$0x20];
	_ =	sdelay $0x4  }
0x38: {  	v58 =	vshll.u32 v3, $0x1  }
0x39: {  	v3 =	vand.u32 $0x7, v3;
	v4 =	vand.u32 $0xFFFFFFF0, v58  }
0x3a: {  	v3 =	vor.u32 v3, v4  }
0x3b: {  	v4 =	vperm.xlane v3, v0;
	_ =	sdelay $0x1  }
0x3c: {  	v3 =	vperm.xlane v3, v2;
	v4 =	vadd.s32 v1, v4;
	_ =	sdelay $0x1  }
0x3d: {  	v3 =	vadd.s32 v1, v3;
	_ =	sdelay $0x1  }
0x3e: {  	s10 =	simm.s32 $0x2400  }
0x3f: {  	[tilespmem:s10], [sflag:$0x1] =	stream.indirect_vreg.gather [hbm4b:s1+s3], $0x80, v4, vm0, $0xb8;
	[tilespmem:$0x18400] =	vst v63  }
0x40: {  	s11 =	simm.s32 $0x2C00  }
0x41: {  	[tilespmem:s11], [sflag:$0x1] =	stream.indirect_vreg.gather [hbm4b:s1+s3], $0x80, v3, vm0, $0xb8;
	[tilespmem:$0x18400] =	vst v63  }
0x42: {  	v3 =	vld [tilespmem:$0x30];
	_ =	sdelay $0x4  }
0x43: {  	v59 =	vshll.u32 v3, $0x1  }
0x44: {  	v3 =	vand.u32 $0x7, v3;
	v4 =	vand.u32 $0xFFFFFFF0, v59  }
0x45: {  	v3 =	vor.u32 v3, v4  }
0x46: {  	v4 =	vperm.xlane v3, v0;
	_ =	sdelay $0x1  }
0x47: {  	v3 =	vperm.xlane v3, v2;
	v4 =	vadd.s32 v1, v4;
	_ =	sdelay $0x1  }
0x48: {  	v3 =	vadd.s32 v1, v3;
	_ =	sdelay $0x1  }
0x49: {  	s29 =	simm.s32 $0x3400  }
0x4a: {  	[tilespmem:s29], [sflag:$0x1] =	stream.indirect_vreg.gather [hbm4b:s1+s3], $0x80, v4, vm0, $0xb8;
	[tilespmem:$0x18400] =	vst v63  }
0x4b: {  	s8 =	simm.s32 $0x3C00  }
0x4c: {  	[tilespmem:s8], [sflag:$0x1] =	stream.indirect_vreg.gather [hbm4b:s1+s3], $0x80, v3, vm0, $0xb8;
	[tilespmem:$0x18400] =	vst v63  }
0x4d: {  	v3 =	vld [tilespmem:$0x40];
	_ =	sdelay $0x4  }
0x4e: {  	v60 =	vshll.u32 v3, $0x1  }
0x4f: {  	v3 =	vand.u32 $0x7, v3;
	v4 =	vand.u32 $0xFFFFFFF0, v60  }
0x50: {  	v3 =	vor.u32 v3, v4  }
0x51: {  	v4 =	vperm.xlane v3, v0;
	_ =	sdelay $0x1  }
0x52: {  	v3 =	vperm.xlane v3, v2;
	v4 =	vadd.s32 v1, v4;
	_ =	sdelay $0x1  }
0x53: {  	v3 =	vadd.s32 v1, v3;
	_ =	sdelay $0x2  }
0x54: {  	[tilespmem:s23], [sflag:$0x2] =	stream.indirect_vreg.gather [hbm4b:s1+s3], $0x80, v4, vm0, $0xb8;
	[tilespmem:$0x18400] =	vst v63  }
0x55: {  	s10 =	simm.s32 $0x4C00  }
0x56: {  	[tilespmem:s10], [sflag:$0x2] =	stream.indirect_vreg.gather [hbm4b:s1+s3], $0x80, v3, vm0, $0xb8;
	[tilespmem:$0x18400] =	vst v63  }
0x57: {  	v3 =	vld [tilespmem:$0x50];
	_ =	sdelay $0x4  }
0x58: {  	v61 =	vshll.u32 v3, $0x1  }
0x59: {  	v3 =	vand.u32 $0x7, v3;
	v4 =	vand.u32 $0xFFFFFFF0, v61  }
0x5a: {  	v3 =	vor.u32 v3, v4  }
0x5b: {  	v4 =	vperm.xlane v3, v0;
	_ =	sdelay $0x1  }
0x5c: {  	v3 =	vperm.xlane v3, v2;
	v4 =	vadd.s32 v1, v4;
	_ =	sdelay $0x1  }
0x5d: {  	v3 =	vadd.s32 v1, v3;
	_ =	sdelay $0x1  }
0x5e: {  	s11 =	simm.s32 $0x5400  }
0x5f: {  	[tilespmem:s11], [sflag:$0x2] =	stream.indirect_vreg.gather [hbm4b:s1+s3], $0x80, v4, vm0, $0xb8;
	[tilespmem:$0x18400] =	vst v63  }
0x60: {  	s29 =	simm.s32 $0x5C00  }
0x61: {  	[tilespmem:s29], [sflag:$0x2] =	stream.indirect_vreg.gather [hbm4b:s1+s3], $0x80, v3, vm0, $0xb8;
	[tilespmem:$0x18400] =	vst v63  }
0x62: {  	v3 =	vld [tilespmem:$0x60];
	_ =	sdelay $0x4  }
0x63: {  	v62 =	vshll.u32 v3, $0x1  }
0x64: {  	v3 =	vand.u32 $0x7, v3;
	v4 =	vand.u32 $0xFFFFFFF0, v62  }
0x65: {  	v3 =	vor.u32 v3, v4  }
0x66: {  	v4 =	vperm.xlane v3, v0;
	_ =	sdelay $0x1  }
0x67: {  	v3 =	vperm.xlane v3, v2;
	v4 =	vadd.s32 v1, v4;
	_ =	sdelay $0x1  }
0x68: {  	v3 =	vadd.s32 v1, v3;
	_ =	sdelay $0x1  }
0x69: {  	s8 =	simm.s32 $0x6400  }
0x6a: {  	[tilespmem:s8], [sflag:$0x2] =	stream.indirect_vreg.gather [hbm4b:s1+s3], $0x80, v4, vm0, $0xb8;
	[tilespmem:$0x18400] =	vst v63  }
0x6b: {  	s10 =	simm.s32 $0x6C00  }
0x6c: {  	[tilespmem:s10], [sflag:$0x2] =	stream.indirect_vreg.gather [hbm4b:s1+s3], $0x80, v3, vm0, $0xb8;
	[tilespmem:$0x18400] =	vst v63  }
0x6d: {  	v3 =	vld [tilespmem:$0x70];
	_ =	sdelay $0x4  }
0x6e: {  	v63 =	vshll.u32 v3, $0x1  }
0x6f: {  	v3 =	vand.u32 $0x7, v3;
	v4 =	vand.u32 $0xFFFFFFF0, v63  }
0x70: {  	v3 =	vor.u32 v3, v4  }
0x71: {  	v4 =	vperm.xlane v3, v0;
	_ =	sdelay $0x1  }
0x72: {  	v3 =	vperm.xlane v3, v2;
	v4 =	vadd.s32 v1, v4;
	_ =	sdelay $0x1  }
0x73: {  	v3 =	vadd.s32 v1, v3;
	_ =	sdelay $0x1  }
0x74: {  	s11 =	simm.s32 $0x7400  }
0x75: {  	[tilespmem:s11], [sflag:$0x2] =	stream.indirect_vreg.gather [hbm4b:s1+s3], $0x80, v4, vm0, $0xb8;
	[tilespmem:$0x18400] =	vst v63  }
0x76: {  	s29 =	simm.s32 $0x7C00  }
0x77: {  	[tilespmem:s29], [sflag:$0x2] =	stream.indirect_vreg.gather [hbm4b:s1+s3], $0x80, v3, vm0, $0xb8;
	[tilespmem:$0x18400] =	vst v63  }
0x78: {  	v3 =	vld [tilespmem:$0x80];
	_ =	sdelay $0x4  }
0x79: {  	v8 =	vshll.u32 v3, $0x1  }
0x7a: {  	v3 =	vand.u32 $0x7, v3;
	v4 =	vand.u32 $0xFFFFFFF0, v8  }
0x7b: {  	v3 =	vor.u32 v3, v4  }
0x7c: {  	v4 =	vperm.xlane v3, v0;
	_ =	sdelay $0x1  }
0x7d: {  	v3 =	vperm.xlane v3, v2;
	v4 =	vadd.s32 v1, v4;
	_ =	sdelay $0x1  }
0x7e: {  	v3 =	vadd.s32 v1, v3;
	_ =	sdelay $0x2  }
0x7f: {  	[tilespmem:s6], [sflag:$0x3] =	stream.indirect_vreg.gather [hbm4b:s1+s3], $0x80, v4, vm0, $0xb8;
	[tilespmem:$0x18400] =	vst v63  }
0x80: {  	s8 =	simm.s32 $0x8C00  }
0x81: {  	[tilespmem:s8], [sflag:$0x3] =	stream.indirect_vreg.gather [hbm4b:s1+s3], $0x80, v3, vm0, $0xb8;
	[tilespmem:$0x18400] =	vst v63  }
0x82: {  	v3 =	vld [tilespmem:$0x90];
	_ =	sdelay $0x4  }
0x83: {  	v9 =	vshll.u32 v3, $0x1  }
0x84: {  	v3 =	vand.u32 $0x7, v3;
	v4 =	vand.u32 $0xFFFFFFF0, v9  }
0x85: {  	v3 =	vor.u32 v3, v4  }
0x86: {  	v4 =	vperm.xlane v3, v0;
	_ =	sdelay $0x1  }
0x87: {  	v3 =	vperm.xlane v3, v2;
	v4 =	vadd.s32 v1, v4;
	_ =	sdelay $0x1  }
0x88: {  	v3 =	vadd.s32 v1, v3;
	_ =	sdelay $0x1  }
0x89: {  	s10 =	simm.s32 $0x9400  }
0x8a: {  	[tilespmem:s10], [sflag:$0x3] =	stream.indirect_vreg.gather [hbm4b:s1+s3], $0x80, v4, vm0, $0xb8;
	[tilespmem:$0x18400] =	vst v63  }
0x8b: {  	s11 =	simm.s32 $0x9C00  }
0x8c: {  	[tilespmem:s11], [sflag:$0x3] =	stream.indirect_vreg.gather [hbm4b:s1+s3], $0x80, v3, vm0, $0xb8;
	[tilespmem:$0x18400] =	vst v63  }
0x8d: {  	v3 =	vld [tilespmem:$0xA0];
	_ =	sdelay $0x4  }
0x8e: {  	v10 =	vshll.u32 v3, $0x1  }
0x8f: {  	v3 =	vand.u32 $0x7, v3;
	v4 =	vand.u32 $0xFFFFFFF0, v10  }
0x90: {  	v3 =	vor.u32 v3, v4  }
0x91: {  	v4 =	vperm.xlane v3, v0;
	_ =	sdelay $0x1  }
0x92: {  	v3 =	vperm.xlane v3, v2;
	v4 =	vadd.s32 v1, v4;
	_ =	sdelay $0x1  }
0x93: {  	v3 =	vadd.s32 v1, v3;
	_ =	sdelay $0x1  }
0x94: {  	s29 =	simm.s32 $0xA400  }
0x95: {  	[tilespmem:s29], [sflag:$0x3] =	stream.indirect_vreg.gather [hbm4b:s1+s3], $0x80, v4, vm0, $0xb8;
	[tilespmem:$0x18400] =	vst v63  }
0x96: {  	s8 =	simm.s32 $0xAC00  }
0x97: {  	[tilespmem:s8], [sflag:$0x3] =	stream.indirect_vreg.gather [hbm4b:s1+s3], $0x80, v3, vm0, $0xb8;
	[tilespmem:$0x18400] =	vst v63  }
0x98: {  	v3 =	vld [tilespmem:$0xB0];
	_ =	sdelay $0x4  }
0x99: {  	v11 =	vshll.u32 v3, $0x1  }
0x9a: {  	v3 =	vand.u32 $0x7, v3;
	v4 =	vand.u32 $0xFFFFFFF0, v11  }
0x9b: {  	v3 =	vor.u32 v3, v4  }
0x9c: {  	v4 =	vperm.xlane v3, v0;
	_ =	sdelay $0x1  }
0x9d: {  	v3 =	vperm.xlane v3, v2;
	v4 =	vadd.s32 v1, v4;
	_ =	sdelay $0x1  }
0x9e: {  	v3 =	vadd.s32 v1, v3;
	_ =	sdelay $0x1  }
0x9f: {  	s10 =	simm.s32 $0xB400  }
0xa0: {  	[tilespmem:s10], [sflag:$0x3] =	stream.indirect_vreg.gather [hbm4b:s1+s3], $0x80, v4, vm0, $0xb8;
	[tilespmem:$0x18400] =	vst v63  }
0xa1: {  	s11 =	simm.s32 $0xBC00  }
0xa2: {  	[tilespmem:s11], [sflag:$0x3] =	stream.indirect_vreg.gather [hbm4b:s1+s3], $0x80, v3, vm0, $0xb8;
	[tilespmem:$0x18400] =	vst v63  }
0xa3: {  	v3 =	vld [tilespmem:$0xC0];
	_ =	sdelay $0x4  }
0xa4: {  	v12 =	vshll.u32 v3, $0x1  }
0xa5: {  	v3 =	vand.u32 $0x7, v3;
	v4 =	vand.u32 $0xFFFFFFF0, v12  }
0xa6: {  	v3 =	vor.u32 v3, v4  }
0xa7: {  	v4 =	vperm.xlane v3, v0;
	_ =	sdelay $0x1  }
0xa8: {  	v3 =	vperm.xlane v3, v2;
	v4 =	vadd.s32 v1, v4;
	_ =	sdelay $0x1  }
0xa9: {  	v3 =	vadd.s32 v1, v3;
	_ =	sdelay $0x2  }
0xaa: {  	[tilespmem:s21], [sflag:$0x4] =	stream.indirect_vreg.gather [hbm4b:s1+s3], $0x80, v4, vm0, $0xb8;
	[tilespmem:$0x18400] =	vst v63  }
0xab: {  	s29 =	simm.s32 $0xCC00  }
0xac: {  	[tilespmem:s29], [sflag:$0x4] =	stream.indirect_vreg.gather [hbm4b:s1+s3], $0x80, v3, vm0, $0xb8;
	[tilespmem:$0x18400] =	vst v63  }
0xad: {  	v3 =	vld [tilespmem:$0xD0];
	_ =	sdelay $0x4  }
0xae: {  	v13 =	vshll.u32 v3, $0x1  }
0xaf: {  	v3 =	vand.u32 $0x7, v3;
	v4 =	vand.u32 $0xFFFFFFF0, v13  }
0xb0: {  	v3 =	vor.u32 v3, v4  }
0xb1: {  	v4 =	vperm.xlane v3, v0;
	_ =	sdelay $0x1  }
0xb2: {  	v3 =	vperm.xlane v3, v2;
	v4 =	vadd.s32 v1, v4;
	_ =	sdelay $0x1  }
0xb3: {  	v3 =	vadd.s32 v1, v3;
	_ =	sdelay $0x1  }
0xb4: {  	s8 =	simm.s32 $0xD400  }
0xb5: {  	[tilespmem:s8], [sflag:$0x4] =	stream.indirect_vreg.gather [hbm4b:s1+s3], $0x80, v4, vm0, $0xb8;
	[tilespmem:$0x18400] =	vst v63  }
0xb6: {  	s10 =	simm.s32 $0xDC00  }
0xb7: {  	[tilespmem:s10], [sflag:$0x4] =	stream.indirect_vreg.gather [hbm4b:s1+s3], $0x80, v3, vm0, $0xb8;
	[tilespmem:$0x18400] =	vst v63  }
0xb8: {  	v3 =	vld [tilespmem:$0xE0];
	_ =	sdelay $0x4  }
0xb9: {  	v14 =	vshll.u32 v3, $0x1  }
0xba: {  	v3 =	vand.u32 $0x7, v3;
	v4 =	vand.u32 $0xFFFFFFF0, v14  }
0xbb: {  	v3 =	vor.u32 v3, v4  }
0xbc: {  	v4 =	vperm.xlane v3, v0;
	_ =	sdelay $0x1  }
0xbd: {  	v3 =	vperm.xlane v3, v2;
	v4 =	vadd.s32 v1, v4;
	_ =	sdelay $0x1  }
0xbe: {  	v3 =	vadd.s32 v1, v3;
	_ =	sdelay $0x1  }
0xbf: {  	s11 =	simm.s32 $0xE400  }
0xc0: {  	[tilespmem:s11], [sflag:$0x4] =	stream.indirect_vreg.gather [hbm4b:s1+s3], $0x80, v4, vm0, $0xb8;
	[tilespmem:$0x18400] =	vst v63  }
0xc1: {  	s29 =	simm.s32 $0xEC00  }
0xc2: {  	[tilespmem:s29], [sflag:$0x4] =	stream.indirect_vreg.gather [hbm4b:s1+s3], $0x80, v3, vm0, $0xb8;
	[tilespmem:$0x18400] =	vst v63  }
0xc3: {  	v3 =	vld [tilespmem:$0xF0];
	_ =	sdelay $0x4  }
0xc4: {  	v15 =	vshll.u32 v3, $0x1  }
0xc5: {  	v3 =	vand.u32 $0x7, v3;
	v4 =	vand.u32 $0xFFFFFFF0, v15  }
0xc6: {  	v3 =	vor.u32 v3, v4  }
0xc7: {  	v4 =	vperm.xlane v3, v0;
	_ =	sdelay $0x1  }
0xc8: {  	v3 =	vperm.xlane v3, v2;
	v4 =	vadd.s32 v1, v4;
	_ =	sdelay $0x1  }
0xc9: {  	v3 =	vadd.s32 v1, v3;
	_ =	sdelay $0x1  }
0xca: {  	s8 =	simm.s32 $0xF400  }
0xcb: {  	[tilespmem:s8], [sflag:$0x4] =	stream.indirect_vreg.gather [hbm4b:s1+s3], $0x80, v4, vm0, $0xb8;
	[tilespmem:$0x18400] =	vst v63  }
0xcc: {  	s10 =	simm.s32 $0xFC00  }
0xcd: {  	[tilespmem:s10], [sflag:$0x4] =	stream.indirect_vreg.gather [hbm4b:s1+s3], $0x80, v3, vm0, $0xb8;
	[tilespmem:$0x18400] =	vst v63  }
0xce: {  	_ =	swait.ge [sflag:s26], $0x4000  }
0xcf: {  	[sflag:s26] =	ssyncset.done $0x0  }
0xd0: {  	s0 =	simm.s32 $0x400;
	s11 =	rddreg [dreg:$0x14];
	[sflag:s26] =	ssyncadd.s32 $0xFFFFC000  }
0xd1: {  	[hbm4b:s11+s3] =	stream.linear.scatter [tilespmem:s0], [sflag:$0x7], $0x4000, $0x38;
	[tilespmem:$0x18400] =	vst v63  }
0xd2: {  	v3 =	vld [tilespmem:$0x100];
	_ =	sdelay $0x4  }
0xd3: {  	v16 =	vshll.u32 v3, $0x1  }
0xd4: {  	v3 =	vand.u32 $0x7, v3;
	v4 =	vand.u32 $0xFFFFFFF0, v16  }
0xd5: {  	v3 =	vor.u32 v3, v4  }
0xd6: {  	v4 =	vperm.xlane v3, v0;
	_ =	sdelay $0x1  }
0xd7: {  	v3 =	vperm.xlane v3, v2;
	v4 =	vadd.s32 v1, v4;
	_ =	sdelay $0x1  }
0xd8: {  	v3 =	vadd.s32 v1, v3;
	_ =	sdelay $0x2  }
0xd9: {  	[tilespmem:s7], [sflag:$0x5] =	stream.indirect_vreg.gather [hbm4b:s1+s3], $0x80, v4, vm0, $0xb8;
	[tilespmem:$0x18400] =	vst v63  }
0xda: {  	_ = 	snop  }
0xdb: {  	[tilespmem:s24], [sflag:$0x5] =	stream.indirect_vreg.gather [hbm4b:s1+s3], $0x80, v3, vm0, $0xb8;
	[tilespmem:$0x18400] =	vst v63  }
0xdc: {  	v3 =	vld [tilespmem:$0x110];
	_ =	sdelay $0x4  }
0xdd: {  	v17 =	vshll.u32 v3, $0x1  }
0xde: {  	v3 =	vand.u32 $0x7, v3;
	v4 =	vand.u32 $0xFFFFFFF0, v17  }
0xdf: {  	v3 =	vor.u32 v3, v4  }
0xe0: {  	v4 =	vperm.xlane v3, v0;
	_ =	sdelay $0x1  }
0xe1: {  	v3 =	vperm.xlane v3, v2;
	v4 =	vadd.s32 v1, v4;
	_ =	sdelay $0x1  }
0xe2: {  	v3 =	vadd.s32 v1, v3;
	_ =	sdelay $0x1  }
0xe3: {  	s11 =	simm.s32 $0x11400  }
0xe4: {  	[tilespmem:s11], [sflag:$0x5] =	stream.indirect_vreg.gather [hbm4b:s1+s3], $0x80, v4, vm0, $0xb8;
	[tilespmem:$0x18400] =	vst v63  }
0xe5: {  	_ = 	snop  }
0xe6: {  	[tilespmem:s13], [sflag:$0x5] =	stream.indirect_vreg.gather [hbm4b:s1+s3], $0x80, v3, vm0, $0xb8;
	[tilespmem:$0x18400] =	vst v63  }
0xe7: {  	v3 =	vld [tilespmem:$0x120];
	_ =	sdelay $0x4  }
0xe8: {  	v18 =	vshll.u32 v3, $0x1  }
0xe9: {  	v3 =	vand.u32 $0x7, v3;
	v4 =	vand.u32 $0xFFFFFFF0, v18  }
0xea: {  	v3 =	vor.u32 v3, v4  }
0xeb: {  	v4 =	vperm.xlane v3, v0;
	_ =	sdelay $0x1  }
0xec: {  	v3 =	vperm.xlane v3, v2;
	v4 =	vadd.s32 v1, v4;
	_ =	sdelay $0x1  }
0xed: {  	v3 =	vadd.s32 v1, v3;
	_ =	sdelay $0x2  }
0xee: {  	[tilespmem:s16], [sflag:$0x5] =	stream.indirect_vreg.gather [hbm4b:s1+s3], $0x80, v4, vm0, $0xb8;
	[tilespmem:$0x18400] =	vst v63  }
0xef: {  	s10 =	simm.s32 $0x12C00  }
0xf0: {  	[tilespmem:s10], [sflag:$0x5] =	stream.indirect_vreg.gather [hbm4b:s1+s3], $0x80, v3, vm0, $0xb8;
	[tilespmem:$0x18400] =	vst v63  }
0xf1: {  	v3 =	vld [tilespmem:$0x130];
	_ =	sdelay $0x4  }
0xf2: {  	v19 =	vshll.u32 v3, $0x1  }
0xf3: {  	v3 =	vand.u32 $0x7, v3;
	v4 =	vand.u32 $0xFFFFFFF0, v19  }
0xf4: {  	v3 =	vor.u32 v3, v4  }
0xf5: {  	v4 =	vperm.xlane v3, v0;
	_ =	sdelay $0x1  }
0xf6: {  	v3 =	vperm.xlane v3, v2;
	v4 =	vadd.s32 v1, v4;
	_ =	sdelay $0x1  }
0xf7: {  	v3 =	vadd.s32 v1, v3;
	_ =	sdelay $0x2  }
0xf8: {  	[tilespmem:s15], [sflag:$0x5] =	stream.indirect_vreg.gather [hbm4b:s1+s3], $0x80, v4, vm0, $0xb8;
	[tilespmem:$0x18400] =	vst v63  }
0xf9: {  	s8 =	simm.s32 $0x13C00  }
0xfa: {  	[tilespmem:s8], [sflag:$0x5] =	stream.indirect_vreg.gather [hbm4b:s1+s3], $0x80, v3, vm0, $0xb8;
	[tilespmem:$0x18400] =	vst v63  }
0xfb: {  	_ =	swait.ge [sflag:s14], $0x4000  }
0xfc: {  	[sflag:s14] =	ssyncset.done $0x0  }
0xfd: {  	s2 =	rddreg [dreg:$0x5];
	[sflag:s14] =	ssyncadd.s32 $0xFFFFC000  }
0xfe: {  	[hbm4b:s2+s3] =	stream.linear.scatter [tilespmem:s23], [sflag:$0x8], $0x4000, $0x38;
	[tilespmem:$0x18400] =	vst v63  }
0xff: {  	v3 =	vld [tilespmem:$0x140];
	_ =	sdelay $0x4  }
0x100: {  	v20 =	vshll.u32 v3, $0x1  }
0x101: {  	v3 =	vand.u32 $0x7, v3;
	v4 =	vand.u32 $0xFFFFFFF0, v20  }
0x102: {  	v3 =	vor.u32 v3, v4  }
0x103: {  	v4 =	vperm.xlane v3, v0;
	_ =	sdelay $0x1  }
0x104: {  	v3 =	vperm.xlane v3, v2;
	v4 =	vadd.s32 v1, v4;
	_ =	sdelay $0x1  }
0x105: {  	v3 =	vadd.s32 v1, v3;
	_ =	sdelay $0x2  }
0x106: {  	[tilespmem:s9], [sflag:$0x6] =	stream.indirect_vreg.gather [hbm4b:s1+s3], $0x80, v4, vm0, $0xb8;
	[tilespmem:$0x18400] =	vst v63  }
0x107: {  	s29 =	simm.s32 $0x14C00  }
0x108: {  	[tilespmem:s29], [sflag:$0x6] =	stream.indirect_vreg.gather [hbm4b:s1+s3], $0x80, v3, vm0, $0xb8;
	[tilespmem:$0x18400] =	vst v63  }
0x109: {  	v3 =	vld [tilespmem:$0x150];
	_ =	sdelay $0x4  }
0x10a: {  	v21 =	vshll.u32 v3, $0x1  }
0x10b: {  	v3 =	vand.u32 $0x7, v3;
	v4 =	vand.u32 $0xFFFFFFF0, v21  }
0x10c: {  	v3 =	vor.u32 v3, v4  }
0x10d: {  	v4 =	vperm.xlane v3, v0;
	_ =	sdelay $0x1  }
0x10e: {  	v3 =	vperm.xlane v3, v2;
	v4 =	vadd.s32 v1, v4;
	_ =	sdelay $0x1  }
0x10f: {  	v3 =	vadd.s32 v1, v3;
	_ =	sdelay $0x2  }
0x110: {  	[tilespmem:s30], [sflag:$0x6] =	stream.indirect_vreg.gather [hbm4b:s1+s3], $0x80, v4, vm0, $0xb8;
	[tilespmem:$0x18400] =	vst v63  }
0x111: {  	_ = 	snop  }
0x112: {  	[tilespmem:s31], [sflag:$0x6] =	stream.indirect_vreg.gather [hbm4b:s1+s3], $0x80, v3, vm0, $0xb8;
	[tilespmem:$0x18400] =	vst v63  }
0x113: {  	v3 =	vld [tilespmem:$0x160];
	_ =	sdelay $0x4  }
0x114: {  	v22 =	vshll.u32 v3, $0x1  }
0x115: {  	v3 =	vand.u32 $0x7, v3;
	v4 =	vand.u32 $0xFFFFFFF0, v22  }
0x116: {  	v3 =	vor.u32 v3, v4  }
0x117: {  	v4 =	vperm.xlane v3, v0;
	_ =	sdelay $0x1  }
0x118: {  	v3 =	vperm.xlane v3, v2;
	v4 =	vadd.s32 v1, v4;
	_ =	sdelay $0x1  }
0x119: {  	v3 =	vadd.s32 v1, v3;
	_ =	sdelay $0x1  }
0x11a: {  	s29 =	simm.s32 $0x16400  }
0x11b: {  	[tilespmem:s29], [sflag:$0x6] =	stream.indirect_vreg.gather [hbm4b:s1+s3], $0x80, v4, vm0, $0xb8;
	[tilespmem:$0x18400] =	vst v63  }
0x11c: {  	s29 =	simm.s32 $0x16C00  }
0x11d: {  	[tilespmem:s29], [sflag:$0x6] =	stream.indirect_vreg.gather [hbm4b:s1+s3], $0x80, v3, vm0, $0xb8;
	[tilespmem:$0x18400] =	vst v63  }
0x11e: {  	v3 =	vld [tilespmem:$0x170];
	_ =	sdelay $0x4  }
0x11f: {  	v23 =	vshll.u32 v3, $0x1  }
0x120: {  	v3 =	vand.u32 $0x7, v3;
	v4 =	vand.u32 $0xFFFFFFF0, v23  }
0x121: {  	v3 =	vor.u32 v3, v4  }
0x122: {  	v4 =	vperm.xlane v3, v0;
	_ =	sdelay $0x1  }
0x123: {  	v3 =	vperm.xlane v3, v2;
	v4 =	vadd.s32 v1, v4;
	_ =	sdelay $0x1  }
0x124: {  	v3 =	vadd.s32 v1, v3;
	_ =	sdelay $0x2  }
0x125: {  	[tilespmem:s28], [sflag:$0x6] =	stream.indirect_vreg.gather [hbm4b:s1+s3], $0x80, v4, vm0, $0xb8;
	[tilespmem:$0x18400] =	vst v63  }
0x126: {  	s29 =	simm.s32 $0x17C00  }
0x127: {  	[tilespmem:s29], [sflag:$0x6] =	stream.indirect_vreg.gather [hbm4b:s1+s3], $0x80, v3, vm0, $0xb8;
	[tilespmem:$0x18400] =	vst v63  }
0x128: {  	_ =	swait.ge [sflag:s17], $0x4000  }
0x129: {  	[sflag:s17] =	ssyncset.done $0x0  }
0x12a: {  	s2 =	rddreg [dreg:$0x6];
	[sflag:s17] =	ssyncadd.s32 $0xFFFFC000  }
0x12b: {  	[hbm4b:s2+s3] =	stream.linear.scatter [tilespmem:s6], [sflag:$0x9], $0x4000, $0x38;
	[tilespmem:$0x18400] =	vst v63  }
0x12c: {  	_ =	swait.ge [sflag:s18], $0x4000  }
0x12d: {  	[sflag:s18] =	ssyncset.done $0x0  }
0x12e: {  	[sflag:s18] =	ssyncadd.s32 $0xFFFFC000  }
0x12f: {  	v3 =	vld [tilespmem:$0x180];
	_ =	sdelay $0x4  }
0x130: {  	v24 =	vshll.u32 v3, $0x1  }
0x131: {  	v3 =	vand.u32 $0x7, v3;
	v4 =	vand.u32 $0xFFFFFFF0, v24  }
0x132: {  	v3 =	vor.u32 v3, v4  }
0x133: {  	v4 =	vperm.xlane v3, v0;
	_ =	sdelay $0x1  }
0x134: {  	v3 =	vperm.xlane v3, v2;
	v4 =	vadd.s32 v1, v4;
	_ =	sdelay $0x1  }
0x135: {  	v3 =	vadd.s32 v1, v3;
	_ =	sdelay $0x1  }
0x136: {  	s0 =	simm.s32 $0x400  }
0x137: {  	[tilespmem:s0], [sflag:$0x1] =	stream.indirect_vreg.gather [hbm4b:s1+s3], $0x80, v4, vm0, $0xb8;
	[tilespmem:$0x18400] =	vst v63  }
0x138: {  	s4 =	simm.s32 $0xC00  }
0x139: {  	[tilespmem:s4], [sflag:$0x1] =	stream.indirect_vreg.gather [hbm4b:s1+s3], $0x80, v3, vm0, $0xb8;
	[tilespmem:$0x18400] =	vst v63  }
0x13a: {  	v3 =	vld [tilespmem:$0x190];
	_ =	sdelay $0x4  }
0x13b: {  	v25 =	vshll.u32 v3, $0x1  }
0x13c: {  	v3 =	vand.u32 $0x7, v3;
	v4 =	vand.u32 $0xFFFFFFF0, v25  }
0x13d: {  	v3 =	vor.u32 v3, v4  }
0x13e: {  	v4 =	vperm.xlane v3, v0;
	_ =	sdelay $0x1  }
0x13f: {  	v3 =	vperm.xlane v3, v2;
	v4 =	vadd.s32 v1, v4;
	_ =	sdelay $0x1  }
0x140: {  	v3 =	vadd.s32 v1, v3;
	_ =	sdelay $0x1  }
0x141: {  	s2 =	simm.s32 $0x1400  }
0x142: {  	[tilespmem:s2], [sflag:$0x1] =	stream.indirect_vreg.gather [hbm4b:s1+s3], $0x80, v4, vm0, $0xb8;
	[tilespmem:$0x18400] =	vst v63  }
0x143: {  	s4 =	simm.s32 $0x1C00  }
0x144: {  	[tilespmem:s4], [sflag:$0x1] =	stream.indirect_vreg.gather [hbm4b:s1+s3], $0x80, v3, vm0, $0xb8;
	[tilespmem:$0x18400] =	vst v63  }
0x145: {  	v3 =	vld [tilespmem:$0x1A0];
	_ =	sdelay $0x4  }
0x146: {  	v26 =	vshll.u32 v3, $0x1  }
0x147: {  	v3 =	vand.u32 $0x7, v3;
	v4 =	vand.u32 $0xFFFFFFF0, v26  }
0x148: {  	v3 =	vor.u32 v3, v4  }
0x149: {  	v4 =	vperm.xlane v3, v0;
	_ =	sdelay $0x1  }
0x14a: {  	v3 =	vperm.xlane v3, v2;
	v4 =	vadd.s32 v1, v4;
	_ =	sdelay $0x1  }
0x14b: {  	v3 =	vadd.s32 v1, v3;
	_ =	sdelay $0x1  }
0x14c: {  	s29 =	simm.s32 $0x2400  }
0x14d: {  	[tilespmem:s29], [sflag:$0x1] =	stream.indirect_vreg.gather [hbm4b:s1+s3], $0x80, v4, vm0, $0xb8;
	[tilespmem:$0x18400] =	vst v63  }
0x14e: {  	s2 =	simm.s32 $0x2C00  }
0x14f: {  	[tilespmem:s2], [sflag:$0x1] =	stream.indirect_vreg.gather [hbm4b:s1+s3], $0x80, v3, vm0, $0xb8;
	[tilespmem:$0x18400] =	vst v63  }
0x150: {  	v3 =	vld [tilespmem:$0x1B0];
	_ =	sdelay $0x4  }
0x151: {  	v27 =	vshll.u32 v3, $0x1  }
0x152: {  	v3 =	vand.u32 $0x7, v3;
	v4 =	vand.u32 $0xFFFFFFF0, v27  }
0x153: {  	v3 =	vor.u32 v3, v4  }
0x154: {  	v4 =	vperm.xlane v3, v0;
	_ =	sdelay $0x1  }
0x155: {  	v3 =	vperm.xlane v3, v2;
	v4 =	vadd.s32 v1, v4;
	_ =	sdelay $0x1  }
0x156: {  	v3 =	vadd.s32 v1, v3;
	_ =	sdelay $0x1  }
0x157: {  	s4 =	simm.s32 $0x3400  }
0x158: {  	[tilespmem:s4], [sflag:$0x1] =	stream.indirect_vreg.gather [hbm4b:s1+s3], $0x80, v4, vm0, $0xb8;
	[tilespmem:$0x18400] =	vst v63  }
0x159: {  	s29 =	simm.s32 $0x3C00  }
0x15a: {  	[tilespmem:s29], [sflag:$0x1] =	stream.indirect_vreg.gather [hbm4b:s1+s3], $0x80, v3, vm0, $0xb8;
	[tilespmem:$0x18400] =	vst v63  }
0x15b: {  	_ =	swait.ge [sflag:s19], $0x4000  }
0x15c: {  	[sflag:s19] =	ssyncset.done $0x0  }
0x15d: {  	s0 =	rddreg [dreg:$0x7];
	[sflag:s19] =	ssyncadd.s32 $0xFFFFC000  }
0x15e: {  	[hbm4b:s0+s3] =	stream.linear.scatter [tilespmem:s21], [sflag:$0xA], $0x4000, $0x38;
	[tilespmem:$0x18400] =	vst v63  }
0x15f: {  	_ =	swait.ge [sflag:s20], $0x4000  }
0x160: {  	[sflag:s20] =	ssyncset.done $0x0  }
0x161: {  	[sflag:s20] =	ssyncadd.s32 $0xFFFFC000  }
0x162: {  	v3 =	vld [tilespmem:$0x1C0];
	_ =	sdelay $0x4  }
0x163: {  	v28 =	vshll.u32 v3, $0x1  }
0x164: {  	v3 =	vand.u32 $0x7, v3;
	v4 =	vand.u32 $0xFFFFFFF0, v28  }
0x165: {  	v3 =	vor.u32 v3, v4  }
0x166: {  	v4 =	vperm.xlane v3, v0;
	_ =	sdelay $0x1  }
0x167: {  	v3 =	vperm.xlane v3, v2;
	v4 =	vadd.s32 v1, v4;
	_ =	sdelay $0x1  }
0x168: {  	v3 =	vadd.s32 v1, v3;
	_ =	sdelay $0x2  }
0x169: {  	[tilespmem:s23], [sflag:$0x2] =	stream.indirect_vreg.gather [hbm4b:s1+s3], $0x80, v4, vm0, $0xb8;
	[tilespmem:$0x18400] =	vst v63  }
0x16a: {  	s2 =	simm.s32 $0x4C00  }
0x16b: {  	[tilespmem:s2], [sflag:$0x2] =	stream.indirect_vreg.gather [hbm4b:s1+s3], $0x80, v3, vm0, $0xb8;
	[tilespmem:$0x18400] =	vst v63  }
0x16c: {  	v3 =	vld [tilespmem:$0x1D0];
	_ =	sdelay $0x4  }
0x16d: {  	v29 =	vshll.u32 v3, $0x1  }
0x16e: {  	v3 =	vand.u32 $0x7, v3;
	v4 =	vand.u32 $0xFFFFFFF0, v29  }
0x16f: {  	v3 =	vor.u32 v3, v4  }
0x170: {  	v4 =	vperm.xlane v3, v0;
	_ =	sdelay $0x1  }
0x171: {  	v3 =	vperm.xlane v3, v2;
	v4 =	vadd.s32 v1, v4;
	_ =	sdelay $0x1  }
0x172: {  	v3 =	vadd.s32 v1, v3;
	_ =	sdelay $0x1  }
0x173: {  	s4 =	simm.s32 $0x5400  }
0x174: {  	[tilespmem:s4], [sflag:$0x2] =	stream.indirect_vreg.gather [hbm4b:s1+s3], $0x80, v4, vm0, $0xb8;
	[tilespmem:$0x18400] =	vst v63  }
0x175: {  	s29 =	simm.s32 $0x5C00  }
0x176: {  	[tilespmem:s29], [sflag:$0x2] =	stream.indirect_vreg.gather [hbm4b:s1+s3], $0x80, v3, vm0, $0xb8;
	[tilespmem:$0x18400] =	vst v63  }
0x177: {  	v3 =	vld [tilespmem:$0x1E0];
	_ =	sdelay $0x4  }
0x178: {  	v30 =	vshll.u32 v3, $0x1  }
0x179: {  	v3 =	vand.u32 $0x7, v3;
	v4 =	vand.u32 $0xFFFFFFF0, v30  }
0x17a: {  	v3 =	vor.u32 v3, v4  }
0x17b: {  	v4 =	vperm.xlane v3, v0;
	_ =	sdelay $0x1  }
0x17c: {  	v3 =	vperm.xlane v3, v2;
	v4 =	vadd.s32 v1, v4;
	_ =	sdelay $0x1  }
0x17d: {  	v3 =	vadd.s32 v1, v3;
	_ =	sdelay $0x1  }
0x17e: {  	s2 =	simm.s32 $0x6400  }
0x17f: {  	[tilespmem:s2], [sflag:$0x2] =	stream.indirect_vreg.gather [hbm4b:s1+s3], $0x80, v4, vm0, $0xb8;
	[tilespmem:$0x18400] =	vst v63  }
0x180: {  	s4 =	simm.s32 $0x6C00  }
0x181: {  	[tilespmem:s4], [sflag:$0x2] =	stream.indirect_vreg.gather [hbm4b:s1+s3], $0x80, v3, vm0, $0xb8;
	[tilespmem:$0x18400] =	vst v63  }
0x182: {  	v3 =	vld [tilespmem:$0x1F0];
	_ =	sdelay $0x4  }
0x183: {  	v31 =	vshll.u32 v3, $0x1  }
0x184: {  	v3 =	vand.u32 $0x7, v3;
	v4 =	vand.u32 $0xFFFFFFF0, v31  }
0x185: {  	v3 =	vor.u32 v3, v4  }
0x186: {  	v4 =	vperm.xlane v3, v0;
	_ =	sdelay $0x1  }
0x187: {  	v3 =	vperm.xlane v3, v2;
	v4 =	vadd.s32 v1, v4;
	_ =	sdelay $0x1  }
0x188: {  	v3 =	vadd.s32 v1, v3;
	_ =	sdelay $0x1  }
0x189: {  	s29 =	simm.s32 $0x7400  }
0x18a: {  	[tilespmem:s29], [sflag:$0x2] =	stream.indirect_vreg.gather [hbm4b:s1+s3], $0x80, v4, vm0, $0xb8;
	[tilespmem:$0x18400] =	vst v63  }
0x18b: {  	s0 =	simm.s32 $0x5;
	s2 =	simm.s32 $0x7C00  }
0x18c: {  	[tilespmem:s2], [sflag:$0x2] =	stream.indirect_vreg.gather [hbm4b:s1+s3], $0x80, v3, vm0, $0xb8;
	[tilespmem:$0x18400] =	vst v63  }
0x18d: {  	_ =	swait.ge [sflag:s0], $0x4000  }
0x18e: {  	[sflag:s0] =	ssyncset.done $0x0  }
0x18f: {  	s4 =	rddreg [dreg:$0x8];
	[sflag:s0] =	ssyncadd.s32 $0xFFFFC000  }
0x190: {  	[hbm4b:s4+s3] =	stream.linear.scatter [tilespmem:s7], [sflag:$0xB], $0x4000, $0x38;
	[tilespmem:$0x18400] =	vst v63  }
0x191: {  	_ =	swait.ge [sflag:s22], $0x4000  }
0x192: {  	[sflag:s22] =	ssyncset.done $0x0  }
0x193: {  	[sflag:s22] =	ssyncadd.s32 $0xFFFFC000  }
0x194: {  	v3 =	vld [tilespmem:$0x200];
	_ =	sdelay $0x4  }
0x195: {  	v32 =	vshll.u32 v3, $0x1  }
0x196: {  	v3 =	vand.u32 $0x7, v3;
	v4 =	vand.u32 $0xFFFFFFF0, v32  }
0x197: {  	v3 =	vor.u32 v3, v4  }
0x198: {  	v4 =	vperm.xlane v3, v0;
	_ =	sdelay $0x1  }
0x199: {  	v3 =	vperm.xlane v3, v2;
	v4 =	vadd.s32 v1, v4;
	_ =	sdelay $0x1  }
0x19a: {  	v3 =	vadd.s32 v1, v3;
	_ =	sdelay $0x2  }
0x19b: {  	[tilespmem:s6], [sflag:$0x3] =	stream.indirect_vreg.gather [hbm4b:s1+s3], $0x80, v4, vm0, $0xb8;
	[tilespmem:$0x18400] =	vst v63  }
0x19c: {  	s29 =	simm.s32 $0x8C00  }
0x19d: {  	[tilespmem:s29], [sflag:$0x3] =	stream.indirect_vreg.gather [hbm4b:s1+s3], $0x80, v3, vm0, $0xb8;
	[tilespmem:$0x18400] =	vst v63  }
0x19e: {  	v3 =	vld [tilespmem:$0x210];
	_ =	sdelay $0x4  }
0x19f: {  	v33 =	vshll.u32 v3, $0x1  }
0x1a0: {  	v3 =	vand.u32 $0x7, v3;
	v4 =	vand.u32 $0xFFFFFFF0, v33  }
0x1a1: {  	v3 =	vor.u32 v3, v4  }
0x1a2: {  	v4 =	vperm.xlane v3, v0;
	_ =	sdelay $0x1  }
0x1a3: {  	v3 =	vperm.xlane v3, v2;
	v4 =	vadd.s32 v1, v4;
	_ =	sdelay $0x1  }
0x1a4: {  	v3 =	vadd.s32 v1, v3;
	_ =	sdelay $0x1  }
0x1a5: {  	s4 =	simm.s32 $0x9400  }
0x1a6: {  	[tilespmem:s4], [sflag:$0x3] =	stream.indirect_vreg.gather [hbm4b:s1+s3], $0x80, v4, vm0, $0xb8;
	[tilespmem:$0x18400] =	vst v63  }
0x1a7: {  	s29 =	simm.s32 $0x9C00  }
0x1a8: {  	[tilespmem:s29], [sflag:$0x3] =	stream.indirect_vreg.gather [hbm4b:s1+s3], $0x80, v3, vm0, $0xb8;
	[tilespmem:$0x18400] =	vst v63  }
0x1a9: {  	v3 =	vld [tilespmem:$0x220];
	_ =	sdelay $0x4  }
0x1aa: {  	v34 =	vshll.u32 v3, $0x1  }
0x1ab: {  	v3 =	vand.u32 $0x7, v3;
	v4 =	vand.u32 $0xFFFFFFF0, v34  }
0x1ac: {  	v3 =	vor.u32 v3, v4  }
0x1ad: {  	v4 =	vperm.xlane v3, v0;
	_ =	sdelay $0x1  }
0x1ae: {  	v3 =	vperm.xlane v3, v2;
	v4 =	vadd.s32 v1, v4;
	_ =	sdelay $0x1  }
0x1af: {  	v3 =	vadd.s32 v1, v3;
	_ =	sdelay $0x1  }
0x1b0: {  	s4 =	simm.s32 $0xA400  }
0x1b1: {  	[tilespmem:s4], [sflag:$0x3] =	stream.indirect_vreg.gather [hbm4b:s1+s3], $0x80, v4, vm0, $0xb8;
	[tilespmem:$0x18400] =	vst v63  }
0x1b2: {  	s29 =	simm.s32 $0xAC00  }
0x1b3: {  	[tilespmem:s29], [sflag:$0x3] =	stream.indirect_vreg.gather [hbm4b:s1+s3], $0x80, v3, vm0, $0xb8;
	[tilespmem:$0x18400] =	vst v63  }
0x1b4: {  	v3 =	vld [tilespmem:$0x230];
	_ =	sdelay $0x4  }
0x1b5: {  	v35 =	vshll.u32 v3, $0x1  }
0x1b6: {  	v3 =	vand.u32 $0x7, v3;
	v4 =	vand.u32 $0xFFFFFFF0, v35  }
0x1b7: {  	v3 =	vor.u32 v3, v4  }
0x1b8: {  	v4 =	vperm.xlane v3, v0;
	_ =	sdelay $0x1  }
0x1b9: {  	v3 =	vperm.xlane v3, v2;
	v4 =	vadd.s32 v1, v4;
	_ =	sdelay $0x1  }
0x1ba: {  	v3 =	vadd.s32 v1, v3;
	_ =	sdelay $0x1  }
0x1bb: {  	s4 =	simm.s32 $0xB400  }
0x1bc: {  	[tilespmem:s4], [sflag:$0x3] =	stream.indirect_vreg.gather [hbm4b:s1+s3], $0x80, v4, vm0, $0xb8;
	[tilespmem:$0x18400] =	vst v63  }
0x1bd: {  	s2 =	simm.s32 $0x6;
	s29 =	simm.s32 $0xBC00  }
0x1be: {  	[tilespmem:s29], [sflag:$0x3] =	stream.indirect_vreg.gather [hbm4b:s1+s3], $0x80, v3, vm0, $0xb8;
	[tilespmem:$0x18400] =	vst v63  }
0x1bf: {  	_ =	swait.ge [sflag:s2], $0x4000  }
0x1c0: {  	[sflag:s2] =	ssyncset.done $0x0  }
0x1c1: {  	s4 =	rddreg [dreg:$0x9];
	[sflag:s2] =	ssyncadd.s32 $0xFFFFC000  }
0x1c2: {  	[hbm4b:s4+s3] =	stream.linear.scatter [tilespmem:s9], [sflag:$0xC], $0x4000, $0x38;
	[tilespmem:$0x18400] =	vst v63  }
0x1c3: {  	_ =	swait.ge [sflag:s25], $0x4000  }
0x1c4: {  	[sflag:s25] =	ssyncset.done $0x0  }
0x1c5: {  	[sflag:s25] =	ssyncadd.s32 $0xFFFFC000  }
0x1c6: {  	v3 =	vld [tilespmem:$0x240];
	_ =	sdelay $0x4  }
0x1c7: {  	v36 =	vshll.u32 v3, $0x1  }
0x1c8: {  	v3 =	vand.u32 $0x7, v3;
	v4 =	vand.u32 $0xFFFFFFF0, v36  }
0x1c9: {  	v3 =	vor.u32 v3, v4  }
0x1ca: {  	v4 =	vperm.xlane v3, v0;
	_ =	sdelay $0x1  }
0x1cb: {  	v3 =	vperm.xlane v3, v2;
	v4 =	vadd.s32 v1, v4;
	_ =	sdelay $0x1  }
0x1cc: {  	v3 =	vadd.s32 v1, v3;
	_ =	sdelay $0x2  }
0x1cd: {  	[tilespmem:s21], [sflag:$0x4] =	stream.indirect_vreg.gather [hbm4b:s1+s3], $0x80, v4, vm0, $0xb8;
	[tilespmem:$0x18400] =	vst v63  }
0x1ce: {  	s29 =	simm.s32 $0xCC00  }
0x1cf: {  	[tilespmem:s29], [sflag:$0x4] =	stream.indirect_vreg.gather [hbm4b:s1+s3], $0x80, v3, vm0, $0xb8;
	[tilespmem:$0x18400] =	vst v63  }
0x1d0: {  	v3 =	vld [tilespmem:$0x250];
	_ =	sdelay $0x4  }
0x1d1: {  	v37 =	vshll.u32 v3, $0x1  }
0x1d2: {  	v3 =	vand.u32 $0x7, v3;
	v4 =	vand.u32 $0xFFFFFFF0, v37  }
0x1d3: {  	v3 =	vor.u32 v3, v4  }
0x1d4: {  	v4 =	vperm.xlane v3, v0;
	_ =	sdelay $0x1  }
0x1d5: {  	v3 =	vperm.xlane v3, v2;
	v4 =	vadd.s32 v1, v4;
	_ =	sdelay $0x1  }
0x1d6: {  	v3 =	vadd.s32 v1, v3;
	_ =	sdelay $0x1  }
0x1d7: {  	s29 =	simm.s32 $0xD400  }
0x1d8: {  	[tilespmem:s29], [sflag:$0x4] =	stream.indirect_vreg.gather [hbm4b:s1+s3], $0x80, v4, vm0, $0xb8;
	[tilespmem:$0x18400] =	vst v63  }
0x1d9: {  	s29 =	simm.s32 $0xDC00  }
0x1da: {  	[tilespmem:s29], [sflag:$0x4] =	stream.indirect_vreg.gather [hbm4b:s1+s3], $0x80, v3, vm0, $0xb8;
	[tilespmem:$0x18400] =	vst v63  }
0x1db: {  	v3 =	vld [tilespmem:$0x260];
	_ =	sdelay $0x4  }
0x1dc: {  	v38 =	vshll.u32 v3, $0x1  }
0x1dd: {  	v3 =	vand.u32 $0x7, v3;
	v4 =	vand.u32 $0xFFFFFFF0, v38  }
0x1de: {  	v3 =	vor.u32 v3, v4  }
0x1df: {  	v4 =	vperm.xlane v3, v0;
	_ =	sdelay $0x1  }
0x1e0: {  	v3 =	vperm.xlane v3, v2;
	v4 =	vadd.s32 v1, v4;
	_ =	sdelay $0x1  }
0x1e1: {  	v3 =	vadd.s32 v1, v3;
	_ =	sdelay $0x1  }
0x1e2: {  	s29 =	simm.s32 $0xE400  }
0x1e3: {  	[tilespmem:s29], [sflag:$0x4] =	stream.indirect_vreg.gather [hbm4b:s1+s3], $0x80, v4, vm0, $0xb8;
	[tilespmem:$0x18400] =	vst v63  }
0x1e4: {  	s29 =	simm.s32 $0xEC00  }
0x1e5: {  	[tilespmem:s29], [sflag:$0x4] =	stream.indirect_vreg.gather [hbm4b:s1+s3], $0x80, v3, vm0, $0xb8;
	[tilespmem:$0x18400] =	vst v63  }
0x1e6: {  	v3 =	vld [tilespmem:$0x270];
	_ =	sdelay $0x4  }
0x1e7: {  	v39 =	vshll.u32 v3, $0x1  }
0x1e8: {  	v3 =	vand.u32 $0x7, v3;
	v4 =	vand.u32 $0xFFFFFFF0, v39  }
0x1e9: {  	v3 =	vor.u32 v3, v4  }
0x1ea: {  	v4 =	vperm.xlane v3, v0;
	_ =	sdelay $0x1  }
0x1eb: {  	v3 =	vperm.xlane v3, v2;
	v4 =	vadd.s32 v1, v4;
	_ =	sdelay $0x1  }
0x1ec: {  	v3 =	vadd.s32 v1, v3;
	_ =	sdelay $0x1  }
0x1ed: {  	s29 =	simm.s32 $0xF400  }
0x1ee: {  	[tilespmem:s29], [sflag:$0x4] =	stream.indirect_vreg.gather [hbm4b:s1+s3], $0x80, v4, vm0, $0xb8;
	[tilespmem:$0x18400] =	vst v63  }
0x1ef: {  	s29 =	simm.s32 $0xFC00  }
0x1f0: {  	[tilespmem:s29], [sflag:$0x4] =	stream.indirect_vreg.gather [hbm4b:s1+s3], $0x80, v3, vm0, $0xb8;
	[tilespmem:$0x18400] =	vst v63  }
0x1f1: {  	_ =	swait.ge [sflag:s26], $0x4000  }
0x1f2: {  	[sflag:s26] =	ssyncset.done $0x0  }
0x1f3: {  	s4 =	rddreg [dreg:$0xa];
	[sflag:s26] =	ssyncadd.s32 $0xFFFFC000  }
0x1f4: {  	[hbm4b:s4+s3] =	stream.linear.scatter [tilespmem:s12], [sflag:$0x7], $0x4000, $0x38;
	[tilespmem:$0x18400] =	vst v63  }
0x1f5: {  	s4 =	simm.s32 $0xB  }
0x1f6: {  	_ =	swait.ge [sflag:s4], $0x4000  }
0x1f7: {  	[sflag:s4] =	ssyncset.done $0x0  }
0x1f8: {  	[sflag:s4] =	ssyncadd.s32 $0xFFFFC000  }
0x1f9: {  	v3 =	vld [tilespmem:$0x280];
	_ =	sdelay $0x4  }
0x1fa: {  	v40 =	vshll.u32 v3, $0x1  }
0x1fb: {  	v3 =	vand.u32 $0x7, v3;
	v4 =	vand.u32 $0xFFFFFFF0, v40  }
0x1fc: {  	v3 =	vor.u32 v3, v4  }
0x1fd: {  	v4 =	vperm.xlane v3, v0;
	_ =	sdelay $0x1  }
0x1fe: {  	v3 =	vperm.xlane v3, v2;
	v4 =	vadd.s32 v1, v4;
	_ =	sdelay $0x1  }
0x1ff: {  	v3 =	vadd.s32 v1, v3;
	_ =	sdelay $0x2  }
0x200: {  	[tilespmem:s7], [sflag:$0x5] =	stream.indirect_vreg.gather [hbm4b:s1+s3], $0x80, v4, vm0, $0xb8;
	[tilespmem:$0x18400] =	vst v63  }
0x201: {  	_ = 	snop  }
0x202: {  	[tilespmem:s24], [sflag:$0x5] =	stream.indirect_vreg.gather [hbm4b:s1+s3], $0x80, v3, vm0, $0xb8;
	[tilespmem:$0x18400] =	vst v63  }
0x203: {  	v3 =	vld [tilespmem:$0x290];
	_ =	sdelay $0x4  }
0x204: {  	v41 =	vshll.u32 v3, $0x1  }
0x205: {  	v3 =	vand.u32 $0x7, v3;
	v4 =	vand.u32 $0xFFFFFFF0, v41  }
0x206: {  	v3 =	vor.u32 v3, v4  }
0x207: {  	v4 =	vperm.xlane v3, v0;
	_ =	sdelay $0x1  }
0x208: {  	v3 =	vperm.xlane v3, v2;
	v4 =	vadd.s32 v1, v4;
	_ =	sdelay $0x1  }
0x209: {  	v3 =	vadd.s32 v1, v3;
	_ =	sdelay $0x2  }
0x20a: {  	[tilespmem:s11], [sflag:$0x5] =	stream.indirect_vreg.gather [hbm4b:s1+s3], $0x80, v4, vm0, $0xb8;
	[tilespmem:$0x18400] =	vst v63  }
0x20b: {  	_ = 	snop  }
0x20c: {  	[tilespmem:s13], [sflag:$0x5] =	stream.indirect_vreg.gather [hbm4b:s1+s3], $0x80, v3, vm0, $0xb8;
	[tilespmem:$0x18400] =	vst v63  }
0x20d: {  	v3 =	vld [tilespmem:$0x2A0];
	_ =	sdelay $0x4  }
0x20e: {  	v42 =	vshll.u32 v3, $0x1  }
0x20f: {  	v3 =	vand.u32 $0x7, v3;
	v4 =	vand.u32 $0xFFFFFFF0, v42  }
0x210: {  	v3 =	vor.u32 v3, v4  }
0x211: {  	v4 =	vperm.xlane v3, v0;
	_ =	sdelay $0x1  }
0x212: {  	v3 =	vperm.xlane v3, v2;
	v4 =	vadd.s32 v1, v4;
	_ =	sdelay $0x1  }
0x213: {  	v3 =	vadd.s32 v1, v3;
	_ =	sdelay $0x2  }
0x214: {  	[tilespmem:s16], [sflag:$0x5] =	stream.indirect_vreg.gather [hbm4b:s1+s3], $0x80, v4, vm0, $0xb8;
	[tilespmem:$0x18400] =	vst v63  }
0x215: {  	_ = 	snop  }
0x216: {  	[tilespmem:s10], [sflag:$0x5] =	stream.indirect_vreg.gather [hbm4b:s1+s3], $0x80, v3, vm0, $0xb8;
	[tilespmem:$0x18400] =	vst v63  }
0x217: {  	v3 =	vld [tilespmem:$0x2B0];
	_ =	sdelay $0x4  }
0x218: {  	v43 =	vshll.u32 v3, $0x1  }
0x219: {  	v3 =	vand.u32 $0x7, v3;
	v4 =	vand.u32 $0xFFFFFFF0, v43  }
0x21a: {  	v3 =	vor.u32 v3, v4  }
0x21b: {  	v4 =	vperm.xlane v3, v0;
	_ =	sdelay $0x1  }
0x21c: {  	v3 =	vperm.xlane v3, v2;
	v4 =	vadd.s32 v1, v4;
	_ =	sdelay $0x1  }
0x21d: {  	v3 =	vadd.s32 v1, v3;
	_ =	sdelay $0x2  }
0x21e: {  	[tilespmem:s15], [sflag:$0x5] =	stream.indirect_vreg.gather [hbm4b:s1+s3], $0x80, v4, vm0, $0xb8;
	[tilespmem:$0x18400] =	vst v63  }
0x21f: {  	_ = 	snop  }
0x220: {  	[tilespmem:s8], [sflag:$0x5] =	stream.indirect_vreg.gather [hbm4b:s1+s3], $0x80, v3, vm0, $0xb8;
	[tilespmem:$0x18400] =	vst v63  }
0x221: {  	_ =	swait.ge [sflag:s14], $0x4000  }
0x222: {  	[sflag:s14] =	ssyncset.done $0x0  }
0x223: {  	s8 =	simm.s32 $0xC;
	s10 =	rddreg [dreg:$0xb];
	[sflag:s14] =	ssyncadd.s32 $0xFFFFC000  }
0x224: {  	[hbm4b:s10+s3] =	stream.linear.scatter [tilespmem:s23], [sflag:$0x8], $0x4000, $0x38;
	[tilespmem:$0x18400] =	vst v63  }
0x225: {  	_ =	swait.ge [sflag:s8], $0x4000  }
0x226: {  	[sflag:s8] =	ssyncset.done $0x0  }
0x227: {  	[sflag:s8] =	ssyncadd.s32 $0xFFFFC000  }
0x228: {  	v3 =	vld [tilespmem:$0x2C0];
	_ =	sdelay $0x4  }
0x229: {  	v44 =	vshll.u32 v3, $0x1  }
0x22a: {  	v3 =	vand.u32 $0x7, v3;
	v4 =	vand.u32 $0xFFFFFFF0, v44  }
0x22b: {  	v3 =	vor.u32 v3, v4  }
0x22c: {  	v4 =	vperm.xlane v3, v0;
	_ =	sdelay $0x1  }
0x22d: {  	v3 =	vperm.xlane v3, v2;
	v4 =	vadd.s32 v1, v4;
	_ =	sdelay $0x1  }
0x22e: {  	v3 =	vadd.s32 v1, v3;
	_ =	sdelay $0x2  }
0x22f: {  	[tilespmem:s9], [sflag:$0x6] =	stream.indirect_vreg.gather [hbm4b:s1+s3], $0x80, v4, vm0, $0xb8;
	[tilespmem:$0x18400] =	vst v63  }
0x230: {  	s11 =	simm.s32 $0x14C00  }
0x231: {  	[tilespmem:s11], [sflag:$0x6] =	stream.indirect_vreg.gather [hbm4b:s1+s3], $0x80, v3, vm0, $0xb8;
	[tilespmem:$0x18400] =	vst v63  }
0x232: {  	v3 =	vld [tilespmem:$0x2D0];
	_ =	sdelay $0x4  }
0x233: {  	v45 =	vshll.u32 v3, $0x1  }
0x234: {  	v3 =	vand.u32 $0x7, v3;
	v4 =	vand.u32 $0xFFFFFFF0, v45  }
0x235: {  	v3 =	vor.u32 v3, v4  }
0x236: {  	v4 =	vperm.xlane v3, v0;
	_ =	sdelay $0x1  }
0x237: {  	v3 =	vperm.xlane v3, v2;
	v4 =	vadd.s32 v1, v4;
	_ =	sdelay $0x1  }
0x238: {  	v3 =	vadd.s32 v1, v3;
	_ =	sdelay $0x2  }
0x239: {  	[tilespmem:s30], [sflag:$0x6] =	stream.indirect_vreg.gather [hbm4b:s1+s3], $0x80, v4, vm0, $0xb8;
	[tilespmem:$0x18400] =	vst v63  }
0x23a: {  	_ = 	snop  }
0x23b: {  	[tilespmem:s31], [sflag:$0x6] =	stream.indirect_vreg.gather [hbm4b:s1+s3], $0x80, v3, vm0, $0xb8;
	[tilespmem:$0x18400] =	vst v63  }
0x23c: {  	v3 =	vld [tilespmem:$0x2E0];
	_ =	sdelay $0x4  }
0x23d: {  	v46 =	vshll.u32 v3, $0x1  }
0x23e: {  	v3 =	vand.u32 $0x7, v3;
	v4 =	vand.u32 $0xFFFFFFF0, v46  }
0x23f: {  	v3 =	vor.u32 v3, v4  }
0x240: {  	v4 =	vperm.xlane v3, v0;
	_ =	sdelay $0x1  }
0x241: {  	v3 =	vperm.xlane v3, v2;
	v4 =	vadd.s32 v1, v4;
	_ =	sdelay $0x1  }
0x242: {  	v3 =	vadd.s32 v1, v3;
	_ =	sdelay $0x1  }
0x243: {  	s29 =	simm.s32 $0x16400  }
0x244: {  	[tilespmem:s29], [sflag:$0x6] =	stream.indirect_vreg.gather [hbm4b:s1+s3], $0x80, v4, vm0, $0xb8;
	[tilespmem:$0x18400] =	vst v63  }
0x245: {  	s11 =	simm.s32 $0x16C00  }
0x246: {  	[tilespmem:s11], [sflag:$0x6] =	stream.indirect_vreg.gather [hbm4b:s1+s3], $0x80, v3, vm0, $0xb8;
	[tilespmem:$0x18400] =	vst v63  }
0x247: {  	v3 =	vld [tilespmem:$0x2F0];
	_ =	sdelay $0x4  }
0x248: {  	v47 =	vshll.u32 v3, $0x1  }
0x249: {  	v3 =	vand.u32 $0x7, v3;
	v4 =	vand.u32 $0xFFFFFFF0, v47  }
0x24a: {  	v3 =	vor.u32 v3, v4  }
0x24b: {  	v4 =	vperm.xlane v3, v0;
	_ =	sdelay $0x1  }
0x24c: {  	v3 =	vperm.xlane v3, v2;
	v4 =	vadd.s32 v1, v4;
	_ =	sdelay $0x1  }
0x24d: {  	v3 =	vadd.s32 v1, v3;
	_ =	sdelay $0x2  }
0x24e: {  	[tilespmem:s28], [sflag:$0x6] =	stream.indirect_vreg.gather [hbm4b:s1+s3], $0x80, v4, vm0, $0xb8;
	[tilespmem:$0x18400] =	vst v63  }
0x24f: {  	s29 =	simm.s32 $0x17C00  }
0x250: {  	[tilespmem:s29], [sflag:$0x6] =	stream.indirect_vreg.gather [hbm4b:s1+s3], $0x80, v3, vm0, $0xb8;
	[tilespmem:$0x18400] =	vst v63  }
0x251: {  	_ =	swait.ge [sflag:s17], $0x4000  }
0x252: {  	[sflag:s17] =	ssyncset.done $0x0  }
0x253: {  	s11 =	rddreg [dreg:$0xc];
	[sflag:s17] =	ssyncadd.s32 $0xFFFFC000  }
0x254: {  	[hbm4b:s11+s3] =	stream.linear.scatter [tilespmem:s6], [sflag:$0x9], $0x4000, $0x38;
	[tilespmem:$0x18400] =	vst v63  }
0x255: {  	_ =	swait.ge [sflag:s18], $0x4000  }
0x256: {  	[sflag:s18] =	ssyncset.done $0x0  }
0x257: {  	[sflag:s18] =	ssyncadd.s32 $0xFFFFC000  }
0x258: {  	v3 =	vld [tilespmem:$0x300];
	_ =	sdelay $0x4  }
0x259: {  	v48 =	vshll.u32 v3, $0x1  }
0x25a: {  	v3 =	vand.u32 $0x7, v3;
	v4 =	vand.u32 $0xFFFFFFF0, v48  }
0x25b: {  	v3 =	vor.u32 v3, v4  }
0x25c: {  	v4 =	vperm.xlane v3, v0;
	_ =	sdelay $0x1  }
0x25d: {  	v3 =	vperm.xlane v3, v2;
	v4 =	vadd.s32 v1, v4;
	_ =	sdelay $0x1  }
0x25e: {  	v3 =	vadd.s32 v1, v3;
	_ =	sdelay $0x2  }
0x25f: {  	[tilespmem:s12], [sflag:$0x1] =	stream.indirect_vreg.gather [hbm4b:s1+s3], $0x80, v4, vm0, $0xb8;
	[tilespmem:$0x18400] =	vst v63  }
0x260: {  	s29 =	simm.s32 $0xC00  }
0x261: {  	[tilespmem:s29], [sflag:$0x1] =	stream.indirect_vreg.gather [hbm4b:s1+s3], $0x80, v3, vm0, $0xb8;
	[tilespmem:$0x18400] =	vst v63  }
0x262: {  	v3 =	vld [tilespmem:$0x310];
	_ =	sdelay $0x4  }
0x263: {  	v49 =	vshll.u32 v3, $0x1  }
0x264: {  	v3 =	vand.u32 $0x7, v3;
	v4 =	vand.u32 $0xFFFFFFF0, v49  }
0x265: {  	v3 =	vor.u32 v3, v4  }
0x266: {  	v4 =	vperm.xlane v3, v0;
	_ =	sdelay $0x1  }
0x267: {  	v3 =	vperm.xlane v3, v2;
	v4 =	vadd.s32 v1, v4;
	_ =	sdelay $0x1  }
0x268: {  	v3 =	vadd.s32 v1, v3;
	_ =	sdelay $0x1  }
0x269: {  	s29 =	simm.s32 $0x1400  }
0x26a: {  	[tilespmem:s29], [sflag:$0x1] =	stream.indirect_vreg.gather [hbm4b:s1+s3], $0x80, v4, vm0, $0xb8;
	[tilespmem:$0x18400] =	vst v63  }
0x26b: {  	s29 =	simm.s32 $0x1C00  }
0x26c: {  	[tilespmem:s29], [sflag:$0x1] =	stream.indirect_vreg.gather [hbm4b:s1+s3], $0x80, v3, vm0, $0xb8;
	[tilespmem:$0x18400] =	vst v63  }
0x26d: {  	v3 =	vld [tilespmem:$0x320];
	_ =	sdelay $0x4  }
0x26e: {  	v50 =	vshll.u32 v3, $0x1  }
0x26f: {  	v3 =	vand.u32 $0x7, v3;
	v4 =	vand.u32 $0xFFFFFFF0, v50  }
0x270: {  	v3 =	vor.u32 v3, v4  }
0x271: {  	v4 =	vperm.xlane v3, v0;
	_ =	sdelay $0x1  }
0x272: {  	v3 =	vperm.xlane v3, v2;
	v4 =	vadd.s32 v1, v4;
	_ =	sdelay $0x1  }
0x273: {  	v3 =	vadd.s32 v1, v3;
	_ =	sdelay $0x1  }
0x274: {  	s29 =	simm.s32 $0x2400  }
0x275: {  	[tilespmem:s29], [sflag:$0x1] =	stream.indirect_vreg.gather [hbm4b:s1+s3], $0x80, v4, vm0, $0xb8;
	[tilespmem:$0x18400] =	vst v63  }
0x276: {  	s29 =	simm.s32 $0x2C00  }
0x277: {  	[tilespmem:s29], [sflag:$0x1] =	stream.indirect_vreg.gather [hbm4b:s1+s3], $0x80, v3, vm0, $0xb8;
	[tilespmem:$0x18400] =	vst v63  }
0x278: {  	v3 =	vld [tilespmem:$0x330];
	_ =	sdelay $0x4  }
0x279: {  	v51 =	vshll.u32 v3, $0x1  }
0x27a: {  	v3 =	vand.u32 $0x7, v3;
	v4 =	vand.u32 $0xFFFFFFF0, v51  }
0x27b: {  	v3 =	vor.u32 v3, v4  }
0x27c: {  	v4 =	vperm.xlane v3, v0;
	_ =	sdelay $0x1  }
0x27d: {  	v3 =	vperm.xlane v3, v2;
	v4 =	vadd.s32 v1, v4;
	_ =	sdelay $0x1  }
0x27e: {  	v3 =	vadd.s32 v1, v3;
	_ =	sdelay $0x1  }
0x27f: {  	s29 =	simm.s32 $0x3400  }
0x280: {  	[tilespmem:s29], [sflag:$0x1] =	stream.indirect_vreg.gather [hbm4b:s1+s3], $0x80, v4, vm0, $0xb8;
	[tilespmem:$0x18400] =	vst v63  }
0x281: {  	s29 =	simm.s32 $0x3C00  }
0x282: {  	[tilespmem:s29], [sflag:$0x1] =	stream.indirect_vreg.gather [hbm4b:s1+s3], $0x80, v3, vm0, $0xb8;
	[tilespmem:$0x18400] =	vst v63  }
0x283: {  	_ =	swait.ge [sflag:s19], $0x4000  }
0x284: {  	[sflag:s19] =	ssyncset.done $0x0  }
0x285: {  	s11 =	rddreg [dreg:$0xd];
	[sflag:s19] =	ssyncadd.s32 $0xFFFFC000  }
0x286: {  	[hbm4b:s11+s3] =	stream.linear.scatter [tilespmem:s21], [sflag:$0xA], $0x4000, $0x38;
	[tilespmem:$0x18400] =	vst v63  }
0x287: {  	_ =	swait.ge [sflag:s20], $0x4000  }
0x288: {  	[sflag:s20] =	ssyncset.done $0x0  }
0x289: {  	[sflag:s20] =	ssyncadd.s32 $0xFFFFC000  }
0x28a: {  	v3 =	vld [tilespmem:$0x340];
	_ =	sdelay $0x4  }
0x28b: {  	v52 =	vshll.u32 v3, $0x1  }
0x28c: {  	v3 =	vand.u32 $0x7, v3;
	v4 =	vand.u32 $0xFFFFFFF0, v52  }
0x28d: {  	v3 =	vor.u32 v3, v4  }
0x28e: {  	v4 =	vperm.xlane v3, v0;
	_ =	sdelay $0x1  }
0x28f: {  	v3 =	vperm.xlane v3, v2;
	v4 =	vadd.s32 v1, v4;
	_ =	sdelay $0x1  }
0x290: {  	v3 =	vadd.s32 v1, v3;
	_ =	sdelay $0x2  }
0x291: {  	[tilespmem:s23], [sflag:$0x2] =	stream.indirect_vreg.gather [hbm4b:s1+s3], $0x80, v4, vm0, $0xb8;
	[tilespmem:$0x18400] =	vst v63  }
0x292: {  	s29 =	simm.s32 $0x4C00  }
0x293: {  	[tilespmem:s29], [sflag:$0x2] =	stream.indirect_vreg.gather [hbm4b:s1+s3], $0x80, v3, vm0, $0xb8;
	[tilespmem:$0x18400] =	vst v63  }
0x294: {  	v3 =	vld [tilespmem:$0x350];
	_ =	sdelay $0x4  }
0x295: {  	v53 =	vshll.u32 v3, $0x1  }
0x296: {  	v3 =	vand.u32 $0x7, v3;
	v4 =	vand.u32 $0xFFFFFFF0, v53  }
0x297: {  	v3 =	vor.u32 v3, v4  }
0x298: {  	v4 =	vperm.xlane v3, v0;
	_ =	sdelay $0x1  }
0x299: {  	v3 =	vperm.xlane v3, v2;
	v4 =	vadd.s32 v1, v4;
	_ =	sdelay $0x1  }
0x29a: {  	v3 =	vadd.s32 v1, v3;
	_ =	sdelay $0x1  }
0x29b: {  	s29 =	simm.s32 $0x5400  }
0x29c: {  	[tilespmem:s29], [sflag:$0x2] =	stream.indirect_vreg.gather [hbm4b:s1+s3], $0x80, v4, vm0, $0xb8;
	[tilespmem:$0x18400] =	vst v63  }
0x29d: {  	s29 =	simm.s32 $0x5C00  }
0x29e: {  	[tilespmem:s29], [sflag:$0x2] =	stream.indirect_vreg.gather [hbm4b:s1+s3], $0x80, v3, vm0, $0xb8;
	[tilespmem:$0x18400] =	vst v63  }
0x29f: {  	v3 =	vld [tilespmem:$0x360];
	_ =	sdelay $0x4  }
0x2a0: {  	v54 =	vshll.u32 v3, $0x1  }
0x2a1: {  	v3 =	vand.u32 $0x7, v3;
	v4 =	vand.u32 $0xFFFFFFF0, v54  }
0x2a2: {  	v3 =	vor.u32 v3, v4  }
0x2a3: {  	v4 =	vperm.xlane v3, v0;
	_ =	sdelay $0x1  }
0x2a4: {  	v3 =	vperm.xlane v3, v2;
	v4 =	vadd.s32 v1, v4;
	_ =	sdelay $0x1  }
0x2a5: {  	v3 =	vadd.s32 v1, v3;
	_ =	sdelay $0x1  }
0x2a6: {  	s29 =	simm.s32 $0x6400  }
0x2a7: {  	[tilespmem:s29], [sflag:$0x2] =	stream.indirect_vreg.gather [hbm4b:s1+s3], $0x80, v4, vm0, $0xb8;
	[tilespmem:$0x18400] =	vst v63  }
0x2a8: {  	s29 =	simm.s32 $0x6C00  }
0x2a9: {  	[tilespmem:s29], [sflag:$0x2] =	stream.indirect_vreg.gather [hbm4b:s1+s3], $0x80, v3, vm0, $0xb8;
	[tilespmem:$0x18400] =	vst v63  }
0x2aa: {  	v3 =	vld [tilespmem:$0x370];
	_ =	sdelay $0x4  }
0x2ab: {  	v55 =	vshll.u32 v3, $0x1  }
0x2ac: {  	v3 =	vand.u32 $0x7, v3;
	v4 =	vand.u32 $0xFFFFFFF0, v55  }
0x2ad: {  	v3 =	vor.u32 v3, v4  }
0x2ae: {  	v4 =	vperm.xlane v3, v0;
	_ =	sdelay $0x1  }
0x2af: {  	v3 =	vperm.xlane v3, v2;
	v4 =	vadd.s32 v1, v4;
	_ =	sdelay $0x1  }
0x2b0: {  	v3 =	vadd.s32 v1, v3;
	_ =	sdelay $0x1  }
0x2b1: {  	s29 =	simm.s32 $0x7400  }
0x2b2: {  	[tilespmem:s29], [sflag:$0x2] =	stream.indirect_vreg.gather [hbm4b:s1+s3], $0x80, v4, vm0, $0xb8;
	[tilespmem:$0x18400] =	vst v63  }
0x2b3: {  	s29 =	simm.s32 $0x7C00  }
0x2b4: {  	[tilespmem:s29], [sflag:$0x2] =	stream.indirect_vreg.gather [hbm4b:s1+s3], $0x80, v3, vm0, $0xb8;
	[tilespmem:$0x18400] =	vst v63  }
0x2b5: {  	_ =	swait.ge [sflag:s0], $0x4000  }
0x2b6: {  	[sflag:s0] =	ssyncset.done $0x0  }
0x2b7: {  	s11 =	rddreg [dreg:$0xe];
	[sflag:s0] =	ssyncadd.s32 $0xFFFFC000  }
0x2b8: {  	[hbm4b:s11+s3] =	stream.linear.scatter [tilespmem:s7], [sflag:$0xB], $0x4000, $0x38;
	[tilespmem:$0x18400] =	vst v63  }
0x2b9: {  	_ =	swait.ge [sflag:s22], $0x4000  }
0x2ba: {  	[sflag:s22] =	ssyncset.done $0x0  }
0x2bb: {  	[sflag:s22] =	ssyncadd.s32 $0xFFFFC000  }
0x2bc: {  	v3 =	vld [tilespmem:$0x380];
	_ =	sdelay $0x4  }
0x2bd: {  	v56 =	vshll.u32 v3, $0x1  }
0x2be: {  	v3 =	vand.u32 $0x7, v3;
	v4 =	vand.u32 $0xFFFFFFF0, v56  }
0x2bf: {  	v3 =	vor.u32 v3, v4  }
0x2c0: {  	v4 =	vperm.xlane v3, v0;
	_ =	sdelay $0x1  }
0x2c1: {  	v3 =	vperm.xlane v3, v2;
	v4 =	vadd.s32 v1, v4;
	_ =	sdelay $0x1  }
0x2c2: {  	v3 =	vadd.s32 v1, v3;
	_ =	sdelay $0x2  }
0x2c3: {  	[tilespmem:s6], [sflag:$0x3] =	stream.indirect_vreg.gather [hbm4b:s1+s3], $0x80, v4, vm0, $0xb8;
	[tilespmem:$0x18400] =	vst v63  }
0x2c4: {  	s29 =	simm.s32 $0x8C00  }
0x2c5: {  	[tilespmem:s29], [sflag:$0x3] =	stream.indirect_vreg.gather [hbm4b:s1+s3], $0x80, v3, vm0, $0xb8;
	[tilespmem:$0x18400] =	vst v63  }
0x2c6: {  	v3 =	vld [tilespmem:$0x390];
	_ =	sdelay $0x4  }
0x2c7: {  	v57 =	vshll.u32 v3, $0x1  }
0x2c8: {  	v3 =	vand.u32 $0x7, v3;
	v4 =	vand.u32 $0xFFFFFFF0, v57  }
0x2c9: {  	v3 =	vor.u32 v3, v4  }
0x2ca: {  	v4 =	vperm.xlane v3, v0;
	_ =	sdelay $0x1  }
0x2cb: {  	v3 =	vperm.xlane v3, v2;
	v4 =	vadd.s32 v1, v4;
	_ =	sdelay $0x1  }
0x2cc: {  	v3 =	vadd.s32 v1, v3;
	_ =	sdelay $0x1  }
0x2cd: {  	s11 =	simm.s32 $0x9400  }
0x2ce: {  	[tilespmem:s11], [sflag:$0x3] =	stream.indirect_vreg.gather [hbm4b:s1+s3], $0x80, v4, vm0, $0xb8;
	[tilespmem:$0x18400] =	vst v63  }
0x2cf: {  	s29 =	simm.s32 $0x9C00  }
0x2d0: {  	[tilespmem:s29], [sflag:$0x3] =	stream.indirect_vreg.gather [hbm4b:s1+s3], $0x80, v3, vm0, $0xb8;
	[tilespmem:$0x18400] =	vst v63  }
0x2d1: {  	v3 =	vld [tilespmem:$0x3A0];
	_ =	sdelay $0x4  }
0x2d2: {  	v58 =	vshll.u32 v3, $0x1  }
0x2d3: {  	v3 =	vand.u32 $0x7, v3;
	v4 =	vand.u32 $0xFFFFFFF0, v58  }
0x2d4: {  	v3 =	vor.u32 v3, v4  }
0x2d5: {  	v4 =	vperm.xlane v3, v0;
	_ =	sdelay $0x1  }
0x2d6: {  	v3 =	vperm.xlane v3, v2;
	v4 =	vadd.s32 v1, v4;
	_ =	sdelay $0x1  }
0x2d7: {  	v3 =	vadd.s32 v1, v3;
	_ =	sdelay $0x1  }
0x2d8: {  	s11 =	simm.s32 $0xA400  }
0x2d9: {  	[tilespmem:s11], [sflag:$0x3] =	stream.indirect_vreg.gather [hbm4b:s1+s3], $0x80, v4, vm0, $0xb8;
	[tilespmem:$0x18400] =	vst v63  }
0x2da: {  	s29 =	simm.s32 $0xAC00  }
0x2db: {  	[tilespmem:s29], [sflag:$0x3] =	stream.indirect_vreg.gather [hbm4b:s1+s3], $0x80, v3, vm0, $0xb8;
	[tilespmem:$0x18400] =	vst v63  }
0x2dc: {  	v3 =	vld [tilespmem:$0x3B0];
	_ =	sdelay $0x4  }
0x2dd: {  	v59 =	vshll.u32 v3, $0x1  }
0x2de: {  	v3 =	vand.u32 $0x7, v3;
	v4 =	vand.u32 $0xFFFFFFF0, v59  }
0x2df: {  	v3 =	vor.u32 v3, v4  }
0x2e0: {  	v4 =	vperm.xlane v3, v0;
	_ =	sdelay $0x1  }
0x2e1: {  	v3 =	vperm.xlane v3, v2;
	v4 =	vadd.s32 v1, v4;
	_ =	sdelay $0x1  }
0x2e2: {  	v3 =	vadd.s32 v1, v3;
	_ =	sdelay $0x1  }
0x2e3: {  	s11 =	simm.s32 $0xB400  }
0x2e4: {  	[tilespmem:s11], [sflag:$0x3] =	stream.indirect_vreg.gather [hbm4b:s1+s3], $0x80, v4, vm0, $0xb8;
	[tilespmem:$0x18400] =	vst v63  }
0x2e5: {  	s29 =	simm.s32 $0xBC00  }
0x2e6: {  	[tilespmem:s29], [sflag:$0x3] =	stream.indirect_vreg.gather [hbm4b:s1+s3], $0x80, v3, vm0, $0xb8;
	[tilespmem:$0x18400] =	vst v63  }
0x2e7: {  	_ =	swait.ge [sflag:s2], $0x4000  }
0x2e8: {  	[sflag:s2] =	ssyncset.done $0x0  }
0x2e9: {  	s11 =	rddreg [dreg:$0xf];
	[sflag:s2] =	ssyncadd.s32 $0xFFFFC000  }
0x2ea: {  	[hbm4b:s11+s3] =	stream.linear.scatter [tilespmem:s9], [sflag:$0xC], $0x4000, $0x38;
	[tilespmem:$0x18400] =	vst v63  }
0x2eb: {  	_ =	swait.ge [sflag:s25], $0x4000  }
0x2ec: {  	[sflag:s25] =	ssyncset.done $0x0  }
0x2ed: {  	[sflag:s25] =	ssyncadd.s32 $0xFFFFC000  }
0x2ee: {  	v3 =	vld [tilespmem:$0x3C0];
	_ =	sdelay $0x4  }
0x2ef: {  	v60 =	vshll.u32 v3, $0x1  }
0x2f0: {  	v3 =	vand.u32 $0x7, v3;
	v4 =	vand.u32 $0xFFFFFFF0, v60  }
0x2f1: {  	v3 =	vor.u32 v3, v4  }
0x2f2: {  	v4 =	vperm.xlane v3, v0;
	_ =	sdelay $0x1  }
0x2f3: {  	v3 =	vperm.xlane v3, v2;
	v4 =	vadd.s32 v1, v4;
	_ =	sdelay $0x1  }
0x2f4: {  	v3 =	vadd.s32 v1, v3;
	_ =	sdelay $0x2  }
0x2f5: {  	[tilespmem:s21], [sflag:$0x4] =	stream.indirect_vreg.gather [hbm4b:s1+s3], $0x80, v4, vm0, $0xb8;
	[tilespmem:$0x18400] =	vst v63  }
0x2f6: {  	s29 =	simm.s32 $0xCC00  }
0x2f7: {  	[tilespmem:s29], [sflag:$0x4] =	stream.indirect_vreg.gather [hbm4b:s1+s3], $0x80, v3, vm0, $0xb8;
	[tilespmem:$0x18400] =	vst v63  }
0x2f8: {  	v3 =	vld [tilespmem:$0x3D0];
	_ =	sdelay $0x4  }
0x2f9: {  	v61 =	vshll.u32 v3, $0x1  }
0x2fa: {  	v3 =	vand.u32 $0x7, v3;
	v4 =	vand.u32 $0xFFFFFFF0, v61  }
0x2fb: {  	v3 =	vor.u32 v3, v4  }
0x2fc: {  	v4 =	vperm.xlane v3, v0;
	_ =	sdelay $0x1  }
0x2fd: {  	v3 =	vperm.xlane v3, v2;
	v4 =	vadd.s32 v1, v4;
	_ =	sdelay $0x1  }
0x2fe: {  	v3 =	vadd.s32 v1, v3;
	_ =	sdelay $0x1  }
0x2ff: {  	s2 =	simm.s32 $0xD400  }
0x300: {  	[tilespmem:s2], [sflag:$0x4] =	stream.indirect_vreg.gather [hbm4b:s1+s3], $0x80, v4, vm0, $0xb8;
	[tilespmem:$0x18400] =	vst v63  }
0x301: {  	s11 =	simm.s32 $0xDC00  }
0x302: {  	[tilespmem:s11], [sflag:$0x4] =	stream.indirect_vreg.gather [hbm4b:s1+s3], $0x80, v3, vm0, $0xb8;
	[tilespmem:$0x18400] =	vst v63  }
0x303: {  	v3 =	vld [tilespmem:$0x3E0];
	_ =	sdelay $0x4  }
0x304: {  	v62 =	vshll.u32 v3, $0x1  }
0x305: {  	v3 =	vand.u32 $0x7, v3;
	v4 =	vand.u32 $0xFFFFFFF0, v62  }
0x306: {  	v3 =	vor.u32 v3, v4  }
0x307: {  	v4 =	vperm.xlane v3, v0;
	_ =	sdelay $0x1  }
0x308: {  	v3 =	vperm.xlane v3, v2;
	v4 =	vadd.s32 v1, v4;
	_ =	sdelay $0x1  }
0x309: {  	v3 =	vadd.s32 v1, v3;
	_ =	sdelay $0x1  }
0x30a: {  	s29 =	simm.s32 $0xE400  }
0x30b: {  	[tilespmem:s29], [sflag:$0x4] =	stream.indirect_vreg.gather [hbm4b:s1+s3], $0x80, v4, vm0, $0xb8;
	[tilespmem:$0x18400] =	vst v63  }
0x30c: {  	s2 =	simm.s32 $0xEC00  }
0x30d: {  	[tilespmem:s2], [sflag:$0x4] =	stream.indirect_vreg.gather [hbm4b:s1+s3], $0x80, v3, vm0, $0xb8;
	[tilespmem:$0x18400] =	vst v63  }
0x30e: {  	v3 =	vld [tilespmem:$0x3F0];
	_ =	sdelay $0x4  }
0x30f: {  	v63 =	vshll.u32 v3, $0x1  }
0x310: {  	v3 =	vand.u32 $0x7, v3;
	v4 =	vand.u32 $0xFFFFFFF0, v63  }
0x311: {  	v3 =	vor.u32 v3, v4  }
0x312: {  	v4 =	vperm.xlane v3, v0;
	_ =	sdelay $0x1  }
0x313: {  	v3 =	vperm.xlane v3, v2;
	v4 =	vadd.s32 v1, v4;
	_ =	sdelay $0x1  }
0x314: {  	v3 =	vadd.s32 v1, v3;
	_ =	sdelay $0x1  }
0x315: {  	s11 =	simm.s32 $0xF400  }
0x316: {  	[tilespmem:s11], [sflag:$0x4] =	stream.indirect_vreg.gather [hbm4b:s1+s3], $0x80, v4, vm0, $0xb8;
	[tilespmem:$0x18400] =	vst v63  }
0x317: {  	s29 =	simm.s32 $0xFC00  }
0x318: {  	[tilespmem:s29], [sflag:$0x4] =	stream.indirect_vreg.gather [hbm4b:s1+s3], $0x80, v3, vm0, $0xb8;
	[tilespmem:$0x18400] =	vst v63  }
0x319: {  	_ =	swait.ge [sflag:s26], $0x4000  }
0x31a: {  	[sflag:s26] =	ssyncset.done $0x0  }
0x31b: {  	s10 =	simm.s32 $0x400;
	s0 =	rddreg [dreg:$0x10];
	[sflag:s26] =	ssyncadd.s32 $0xFFFFC000  }
0x31c: {  	[hbm4b:s0+s3] =	stream.linear.scatter [tilespmem:s10], [sflag:$0x7], $0x4000, $0x38;
	[tilespmem:$0x18400] =	vst v63  }
0x31d: {  	_ =	swait.ge [sflag:s14], $0x4000  }
0x31e: {  	[sflag:s14] =	ssyncset.done $0x0  }
0x31f: {  	s2 =	rddreg [dreg:$0x11];
	[sflag:s14] =	ssyncadd.s32 $0xFFFFC000  }
0x320: {  	[hbm4b:s2+s3] =	stream.linear.scatter [tilespmem:s23], [sflag:$0x8], $0x4000, $0x38;
	[tilespmem:$0x18400] =	vst v63  }
0x321: {  	_ =	swait.ge [sflag:s17], $0x4000  }
0x322: {  	[sflag:s17] =	ssyncset.done $0x0  }
0x323: {  	s10 =	rddreg [dreg:$0x12];
	[sflag:s17] =	ssyncadd.s32 $0xFFFFC000  }
0x324: {  	[hbm4b:s10+s3] =	stream.linear.scatter [tilespmem:s6], [sflag:$0x9], $0x4000, $0x38;
	[tilespmem:$0x18400] =	vst v63  }
0x325: {  	_ =	swait.ge [sflag:s19], $0x4000  }
0x326: {  	[sflag:s19] =	ssyncset.done $0x0  }
0x327: {  	s11 =	rddreg [dreg:$0x13];
	[sflag:s19] =	ssyncadd.s32 $0xFFFFC000  }
0x328: {  	[hbm4b:s11+s3] =	stream.linear.scatter [tilespmem:s21], [sflag:$0xA], $0x4000, $0x38;
	[tilespmem:$0x18400] =	vst v63  }
0x329: {  	_ =	swait.ge [sflag:s4], $0x4000  }
0x32a: {  	[sflag:s4] =	ssyncset.done $0x0  }
0x32b: {  	[sflag:s4] =	ssyncadd.s32 $0xFFFFC000  }
0x32c: {  	_ =	swait.ge [sflag:s8], $0x4000  }
0x32d: {  	[sflag:s8] =	ssyncset.done $0x0  }
0x32e: {  	[sflag:s8] =	ssyncadd.s32 $0xFFFFC000  }
0x32f: {  	_ =	swait.ge [sflag:s18], $0x4000  }
0x330: {  	[sflag:s18] =	ssyncset.done $0x0  }
0x331: {  	[sflag:s18] =	ssyncadd.s32 $0xFFFFC000  }
0x332: {  	_ =	swait.ge [sflag:s20], $0x4000  }
0x333: {  	[sflag:s20] =	ssyncset.done $0x0  }
0x334: {  	[sflag:s20] =	ssyncadd.s32 $0xFFFFC000  }
0x335: {  	p0 =	sne.s32 s5, $0x1;
	_ =	swait.ge [sflag:s22], $0x4000  }
.Ltmp0:
0x336: {  	[sflag:s22] =	ssyncset.done $0x0;
	(pc) =	sbr.rel @p0 .LBB2_1-.Ltmp0, $4  }
0x337: {  	[sflag:s22] =	ssyncadd.s32 $0xFFFFC000  }
0x338: {  	_ =	swait.ge [sflag:s25], $0x4000  }
0x339: {  	[sflag:s25] =	ssyncset.done $0x0  }
0x33a: {  	s5 =	sadd.s32 $0xFFFFFFFF, s5;
	[sflag:s25] =	ssyncadd.s32 $0xFFFFC000  }
0x33b: {  	_ =	sfence.sel $0x180000  }
0x33c: {  	[bflag:$0x0] =	sbarrier.arrive $0xFFFF  }
0x33d: {  	_ =	strace $0x90000047  }
0x33e: {  	s0 =	stileid.u32;
	[bflag:$0x2] =	sbarrier.arrive $0xFFFF  }
0x33f: {  	p0 =	sne.s32 s0, $0x0;
	s0 =	rddreg [dreg:$0x3]  }
0x340: {  	s0 =	sadd.s32 @!p0 $0x100000, s0  }
0x341: {  	[sflag:s0] =	ssyncadd.tile.s32 @!p0 $0x1;
	_ =	shalt  }
.Lfunc_end2:
_tile_overlayer_lowered:
.L_overlay_start_2:
0x342: {  	(tag) =	ssettag $0x2  }
0x343: {  	s0 =	rddreg [dreg:$0x0];
	s2 =	stileid.u32  }
0x344: {  	s1 =	rddreg [dreg:$0x1];
	p0 =	sne.s32 s2, $0x0  }
0x345: {  	s3 =	rddreg [dreg:$0x2];
	[bflag:$0x3] =	sbarrier.arrive $0xFFFF;
	s2 =	simm.s32 @!p0 $0x1C0D  }
0x346: {  	[timem:s3], [sflag:s2] =	dma.local @!p0 [hbm:s0], s1  }
0x347: {  	s0 =	simm.s32 @!p0 $0xD  }
0x348: {  	_ =	swait.ge @!p0 [sflag:s0], s1  }
0x349: {  	s1 =	ssub.s32 @!p0 $0x0, s1;
	[sflag:s0] =	ssyncset.done @!p0 $0x0  }
0x34a: {  	[sflag:s0] =	ssyncadd.s32 @!p0 s1  }
0x34b: {  	[bflag:$0x3] =	sbarrier.arrive $0xFFFF  }
0x34c: {  	_ =	shalt  }

</sc_bundles>
